<compile_context>
chip_gen: v7x
topology: tpu7x:2x2x1
jax: 0.10.2.dev20260603
libtpu: 0.0.44.dev20260713+nightly
codegen_flags: <defaults>
</compile_context>

<pallas_src>
import functools

import jax
import jax.numpy as jnp
from jax import lax
from jax.experimental import pallas as pl
from jax.experimental.pallas import tpu as pltpu
from jax.experimental.pallas import tpu_sc as plsc

_NC = 2
_NS = 16
_NW = _NC * _NS
_LANES = 16


def _build_sc_posenc(batch, seq_len, d_model, chunk=32, nbuf=3):
    s_per_w = seq_len // _NW
    n_chunks = s_per_w // chunk
    mesh = plsc.VectorSubcoreMesh(core_axis_name="c", subcore_axis_name="s")

    @functools.partial(
        pl.kernel,
        out_type=jax.ShapeDtypeStruct((batch * seq_len, d_model), jnp.float32),
        mesh=mesh,
        scratch_types=(
            [
                pltpu.VMEM((batch, s_per_w), jnp.int32),
                pltpu.VMEM((s_per_w // chunk, chunk), jnp.int32),
            ]
            + [pltpu.VMEM((chunk, d_model), jnp.float32)] * nbuf
            + [pltpu.VMEM((chunk,), jnp.int32)]
            + [pltpu.SemaphoreType.DMA] * (2 * nbuf + 1)
        ),
    )
    def k(table_hbm, tok_hbm, out_hbm, tok_v, pidx_v, *scr):
        bufs = scr[:nbuf]
        fidx_v = scr[nbuf]
        rsems = scr[nbuf + 1:2 * nbuf + 1]
        wsems = scr[2 * nbuf + 1:3 * nbuf + 1]
        tsem = scr[3 * nbuf + 1]
        buf0 = bufs[0]
        wid = lax.axis_index("s") * _NC + lax.axis_index("c")
        s0 = wid * s_per_w

        for i in range(s_per_w // _LANES):
            pos = (s0 + (i * _LANES + 1)) + lax.iota(jnp.int32, 16)
            pidx_v[(i * _LANES) // chunk,
                   pl.ds((i * _LANES) % chunk, _LANES)] = pos

        def read_chunk(c):
            return pltpu.async_copy(
                table_hbm.at[pidx_v.at[c]], bufs[c % nbuf], rsems[c % nbuf])

        reads = [None] * n_chunks
        for c in range(min(nbuf, n_chunks)):
            reads[c] = read_chunk(c)
        tok_copies = [
            pltpu.async_copy(tok_hbm.at[b, pl.ds(s0, s_per_w)],
                             tok_v.at[b], tsem)
            for b in range(batch)
        ]

        writes = [[None] * batch for _ in range(n_chunks)]
        for c in range(n_chunks):
            reads[c].wait()
            if c == n_chunks - 2 and n_chunks > nbuf:
                for w in writes[0]:
                    w.wait()
                reads[n_chunks - 1] = read_chunk(n_chunks - 1)
            for b in range(batch):
                writes[c][b] = pltpu.async_copy(
                    bufs[c % nbuf],
                    out_hbm.at[pl.ds(b * seq_len + s0 + c * chunk, chunk)],
                    wsems[c % nbuf])
        for c in range(1 if n_chunks > nbuf else 0, n_chunks):
            for w in writes[c]:
                w.wait()
        for t in tok_copies:
            t.wait()

        def any_zero_scalar(vreg):
            anyz = None
            for j in range(_LANES):
                lz = vreg[j] == 0
                anyz = lz if anyz is None else (anyz | lz)
            return anyz

        def fix_span(cb, carry):
            c = cb // batch
            b = cb % batch
            t1 = tok_v[b, pl.ds(c * chunk, _LANES)]
            t2 = tok_v[b, pl.ds(c * chunk + _LANES, _LANES)]

            @pl.when(any_zero_scalar(jnp.minimum(t1, t2)))
            def _fix():
                for i in range(chunk // _LANES):
                    tok = tok_v[b, pl.ds(c * chunk + i * _LANES, _LANES)]
                    pos = (s0 + (c * chunk + i * _LANES + 1)
                           ) + lax.iota(jnp.int32, 16)
                    fidx_v[pl.ds(i * _LANES, _LANES)] = jnp.where(
                        tok == 0, 0, pos)
                pltpu.async_copy(
                    table_hbm.at[fidx_v], buf0, rsems[0]).wait()
                pltpu.async_copy(
                    buf0,
                    out_hbm.at[pl.ds(b * seq_len + s0 + c * chunk, chunk)],
                    wsems[0]).wait()

            return carry

        lax.fori_loop(0, n_chunks * batch, fix_span, 0)

    return k


def kernel(inputs, pos_table):
    batch, seq_len = inputs.shape
    d_model = pos_table.shape[1]
    tok = inputs.astype(jnp.int32)
    k = _build_sc_posenc(batch, seq_len, d_model)
    out = k(pos_table, tok)
    return out.reshape(batch, seq_len, d_model)

# --- scband reference (transcript-rebuilt; emitter-appended) ---
"""Pipeline reference for scband-positional-encoding-8881992368522 (READ-ONLY COPY).

The authoritative reference and input builder live on the scoring server;
editing this copy changes nothing except your own understanding.
"""

import jax, jax.numpy as jnp
import numpy as np

MAX_SEQ_LEN = 4096
D_MODEL = 1024
BATCH = 4
SEQ_LEN = 4096


def _make_pos_table():
    pos = np.arange(MAX_SEQ_LEN + 1, dtype=np.float64)[:, None]
    i = np.arange(D_MODEL, dtype=np.float64)[None, :]
    angle = pos / np.power(10000.0, 2.0 * (i // 2) / D_MODEL)
    angle[:, 0::2] = np.sin(angle[:, 0::2])
    angle[:, 1::2] = np.cos(angle[:, 1::2])
    return jnp.asarray(angle, dtype=jnp.float32)


def setup_inputs(seed: int = 0) -> dict:
    key = jax.random.key(seed)
    inputs = jax.random.randint(key, (BATCH, SEQ_LEN), 0, 30000)
    pos_table = _make_pos_table()
    return {"inputs": inputs, "pos_table": pos_table}


def reference(inputs, pos_table):
    B, S = inputs.shape
    # absolute positions 1..S, zeroed where input token id == 0 (padding)
    pos = jnp.broadcast_to(jnp.arange(1, S + 1, dtype=inputs.dtype)[None, :], (B, S))
    abs_pos = jnp.where(inputs == 0, jnp.zeros_like(pos), pos)
    # embedding lookup -> gather rows of the sinusoidal table
    outputs = jnp.take(pos_table, abs_pos, axis=0)
    return outputs

if __name__ == "__main__":
    import jax
    _d = setup_inputs()
    print(jax.jit(kernel)(*tuple(_d.values())))

</pallas_src>

<mosaic_0001>
#map = affine_map<(d0, d1) -> (0, 0)>
module attributes {stable_mosaic.version = 14 : i64} {
  func.func @k(%arg0: i32, %arg1: i32, %arg2: memref<4097x1024xf32, #tpu.memory_space<hbm>>, %arg3: memref<4x4096xi32, #tpu.memory_space<hbm>>, %arg4: memref<16384x1024xf32, #tpu.memory_space<hbm>>, %arg5: memref<4x128xi32, #tpu.memory_space<vmem>>, %arg6: memref<4x32xi32, #tpu.memory_space<vmem>>, %arg7: memref<32x1024xf32, #tpu.memory_space<vmem>>, %arg8: memref<32x1024xf32, #tpu.memory_space<vmem>>, %arg9: memref<32x1024xf32, #tpu.memory_space<vmem>>, %arg10: memref<32xi32, #tpu.memory_space<vmem>>, %arg11: memref<!tpu.dma_semaphore, #tpu.memory_space<semaphore_mem>>, %arg12: memref<!tpu.dma_semaphore, #tpu.memory_space<semaphore_mem>>, %arg13: memref<!tpu.dma_semaphore, #tpu.memory_space<semaphore_mem>>, %arg14: memref<!tpu.dma_semaphore, #tpu.memory_space<semaphore_mem>>, %arg15: memref<!tpu.dma_semaphore, #tpu.memory_space<semaphore_mem>>, %arg16: memref<!tpu.dma_semaphore, #tpu.memory_space<semaphore_mem>>, %arg17: memref<!tpu.dma_semaphore, #tpu.memory_space<semaphore_mem>>) attributes {dimension_semantics = [#tpu.dimension_semantics<core_parallel>, #tpu.dimension_semantics<subcore_parallel>], iteration_bounds = array<i64: 2, 16>, scalar_prefetch = 0 : i64, scratch_operands = 13 : i64, tpu.core_type = #tpu.core_type<sc_vector_subcore>, window_params = [{transform_indices = #map}, {transform_indices = #map}, {transform_indices = #map}]} {
    %mul3A = arith.constant 2 : i32
    %mul3A_0 = arith.muli %arg1, %mul3A : i32
    %add3A = arith.addi %mul3A_0, %arg0 : i32
    %mul3A_1 = arith.constant 128 : i32
    %mul3A_2 = arith.muli %add3A, %mul3A_1 : i32
    %add3A_3 = arith.constant 1 : i32
    %add3A_4 = arith.addi %mul3A_2, %add3A_3 : i32
    %iota3A = tpu.iota {dimensions = array<i32: 0>} : vector<16xi32>
    %add3A_5 = vector.broadcast %add3A_4 : i32 to vector<16xi32>
    %add3A_6 = arith.addi %add3A_5, %iota3A : vector<16xi32>
    %swap3A = arith.constant 0 : i32
    %swap3A_7 = arith.index_cast %swap3A : i32 to index
    %swap3A_8 = arith.constant 0 : index
    %swap3A_9 = tpu.vector_load %arg6[%swap3A_7, %swap3A_8] {strides = array<i32>} : memref<4x32xi32, #tpu.memory_space<vmem>>, vector<1x16xi32>,
    %swap3A_10 = vector.shape_cast %swap3A_9 : vector<1x16xi32> to vector<16xi32>
    %swap3A_11 = vector.shape_cast %add3A_6 : vector<16xi32> to vector<1x16xi32>
    tpu.vector_store %arg6[%swap3A_7, %swap3A_8], %swap3A_11 {strides = array<i32>} : memref<4x32xi32, #tpu.memory_space<vmem>>, vector<1x16xi32>,
    %add3A_12 = arith.constant 17 : i32
    %add3A_13 = arith.addi %mul3A_2, %add3A_12 : i32
    %iota3A_14 = tpu.iota {dimensions = array<i32: 0>} : vector<16xi32>
    %add3A_15 = vector.broadcast %add3A_13 : i32 to vector<16xi32>
    %add3A_16 = arith.addi %add3A_15, %iota3A_14 : vector<16xi32>
    %swap3A_17 = arith.constant 0 : i32
    %swap3A_18 = arith.index_cast %swap3A_17 : i32 to index
    %swap3A_19 = arith.constant 16 : index
    %swap3A_20 = tpu.vector_load %arg6[%swap3A_18, %swap3A_19] {strides = array<i32>} : memref<4x32xi32, #tpu.memory_space<vmem>>, vector<1x16xi32>,
    %swap3A_21 = vector.shape_cast %swap3A_20 : vector<1x16xi32> to vector<16xi32>
    %swap3A_22 = vector.shape_cast %add3A_16 : vector<16xi32> to vector<1x16xi32>
    tpu.vector_store %arg6[%swap3A_18, %swap3A_19], %swap3A_22 {strides = array<i32>} : memref<4x32xi32, #tpu.memory_space<vmem>>, vector<1x16xi32>,
    %add3A_23 = arith.constant 33 : i32
    %add3A_24 = arith.addi %mul3A_2, %add3A_23 : i32
    %iota3A_25 = tpu.iota {dimensions = array<i32: 0>} : vector<16xi32>
    %add3A_26 = vector.broadcast %add3A_24 : i32 to vector<16xi32>
    %add3A_27 = arith.addi %add3A_26, %iota3A_25 : vector<16xi32>
    %swap3A_28 = arith.constant 1 : i32
    %swap3A_29 = arith.index_cast %swap3A_28 : i32 to index
    %swap3A_30 = arith.constant 0 : index
    %swap3A_31 = tpu.vector_load %arg6[%swap3A_29, %swap3A_30] {strides = array<i32>} : memref<4x32xi32, #tpu.memory_space<vmem>>, vector<1x16xi32>,
    %swap3A_32 = vector.shape_cast %swap3A_31 : vector<1x16xi32> to vector<16xi32>
    %swap3A_33 = vector.shape_cast %add3A_27 : vector<16xi32> to vector<1x16xi32>
    tpu.vector_store %arg6[%swap3A_29, %swap3A_30], %swap3A_33 {strides = array<i32>} : memref<4x32xi32, #tpu.memory_space<vmem>>, vector<1x16xi32>,
    %add3A_34 = arith.constant 49 : i32
    %add3A_35 = arith.addi %mul3A_2, %add3A_34 : i32
    %iota3A_36 = tpu.iota {dimensions = array<i32: 0>} : vector<16xi32>
    %add3A_37 = vector.broadcast %add3A_35 : i32 to vector<16xi32>
    %add3A_38 = arith.addi %add3A_37, %iota3A_36 : vector<16xi32>
    %swap3A_39 = arith.constant 1 : i32
    %swap3A_40 = arith.index_cast %swap3A_39 : i32 to index
    %swap3A_41 = arith.constant 16 : index
    %swap3A_42 = tpu.vector_load %arg6[%swap3A_40, %swap3A_41] {strides = array<i32>} : memref<4x32xi32, #tpu.memory_space<vmem>>, vector<1x16xi32>,
    %swap3A_43 = vector.shape_cast %swap3A_42 : vector<1x16xi32> to vector<16xi32>
    %swap3A_44 = vector.shape_cast %add3A_38 : vector<16xi32> to vector<1x16xi32>
    tpu.vector_store %arg6[%swap3A_40, %swap3A_41], %swap3A_44 {strides = array<i32>} : memref<4x32xi32, #tpu.memory_space<vmem>>, vector<1x16xi32>,
    %add3A_45 = arith.constant 65 : i32
    %add3A_46 = arith.addi %mul3A_2, %add3A_45 : i32
    %iota3A_47 = tpu.iota {dimensions = array<i32: 0>} : vector<16xi32>
    %add3A_48 = vector.broadcast %add3A_46 : i32 to vector<16xi32>
    %add3A_49 = arith.addi %add3A_48, %iota3A_47 : vector<16xi32>
    %swap3A_50 = arith.constant 2 : i32
    %swap3A_51 = arith.index_cast %swap3A_50 : i32 to index
    %swap3A_52 = arith.constant 0 : index
    %swap3A_53 = tpu.vector_load %arg6[%swap3A_51, %swap3A_52] {strides = array<i32>} : memref<4x32xi32, #tpu.memory_space<vmem>>, vector<1x16xi32>,
    %swap3A_54 = vector.shape_cast %swap3A_53 : vector<1x16xi32> to vector<16xi32>
    %swap3A_55 = vector.shape_cast %add3A_49 : vector<16xi32> to vector<1x16xi32>
    tpu.vector_store %arg6[%swap3A_51, %swap3A_52], %swap3A_55 {strides = array<i32>} : memref<4x32xi32, #tpu.memory_space<vmem>>, vector<1x16xi32>,
    %add3A_56 = arith.constant 81 : i32
    %add3A_57 = arith.addi %mul3A_2, %add3A_56 : i32
    %iota3A_58 = tpu.iota {dimensions = array<i32: 0>} : vector<16xi32>
    %add3A_59 = vector.broadcast %add3A_57 : i32 to vector<16xi32>
    %add3A_60 = arith.addi %add3A_59, %iota3A_58 : vector<16xi32>
    %swap3A_61 = arith.constant 2 : i32
    %swap3A_62 = arith.index_cast %swap3A_61 : i32 to index
    %swap3A_63 = arith.constant 16 : index
    %swap3A_64 = tpu.vector_load %arg6[%swap3A_62, %swap3A_63] {strides = array<i32>} : memref<4x32xi32, #tpu.memory_space<vmem>>, vector<1x16xi32>,
    %swap3A_65 = vector.shape_cast %swap3A_64 : vector<1x16xi32> to vector<16xi32>
    %swap3A_66 = vector.shape_cast %add3A_60 : vector<16xi32> to vector<1x16xi32>
    tpu.vector_store %arg6[%swap3A_62, %swap3A_63], %swap3A_66 {strides = array<i32>} : memref<4x32xi32, #tpu.memory_space<vmem>>, vector<1x16xi32>,
    %add3A_67 = arith.constant 97 : i32
    %add3A_68 = arith.addi %mul3A_2, %add3A_67 : i32
    %iota3A_69 = tpu.iota {dimensions = array<i32: 0>} : vector<16xi32>
    %add3A_70 = vector.broadcast %add3A_68 : i32 to vector<16xi32>
    %add3A_71 = arith.addi %add3A_70, %iota3A_69 : vector<16xi32>
    %swap3A_72 = arith.constant 3 : i32
    %swap3A_73 = arith.index_cast %swap3A_72 : i32 to index
    %swap3A_74 = arith.constant 0 : index
    %swap3A_75 = tpu.vector_load %arg6[%swap3A_73, %swap3A_74] {strides = array<i32>} : memref<4x32xi32, #tpu.memory_space<vmem>>, vector<1x16xi32>,
    %swap3A_76 = vector.shape_cast %swap3A_75 : vector<1x16xi32> to vector<16xi32>
    %swap3A_77 = vector.shape_cast %add3A_71 : vector<16xi32> to vector<1x16xi32>
    tpu.vector_store %arg6[%swap3A_73, %swap3A_74], %swap3A_77 {strides = array<i32>} : memref<4x32xi32, #tpu.memory_space<vmem>>, vector<1x16xi32>,
    %add3A_78 = arith.constant 113 : i32
    %add3A_79 = arith.addi %mul3A_2, %add3A_78 : i32
    %iota3A_80 = tpu.iota {dimensions = array<i32: 0>} : vector<16xi32>
    %add3A_81 = vector.broadcast %add3A_79 : i32 to vector<16xi32>
    %add3A_82 = arith.addi %add3A_81, %iota3A_80 : vector<16xi32>
    %swap3A_83 = arith.constant 3 : i32
    %swap3A_84 = arith.index_cast %swap3A_83 : i32 to index
    %swap3A_85 = arith.constant 16 : index
    %swap3A_86 = tpu.vector_load %arg6[%swap3A_84, %swap3A_85] {strides = array<i32>} : memref<4x32xi32, #tpu.memory_space<vmem>>, vector<1x16xi32>,
    %swap3A_87 = vector.shape_cast %swap3A_86 : vector<1x16xi32> to vector<16xi32>
    %swap3A_88 = vector.shape_cast %add3A_82 : vector<16xi32> to vector<1x16xi32>
    tpu.vector_store %arg6[%swap3A_84, %swap3A_85], %swap3A_88 {strides = array<i32>} : memref<4x32xi32, #tpu.memory_space<vmem>>, vector<1x16xi32>,
    %dma_start3A = arith.constant 0 : i32
    %dma_start3A_89 = arith.constant 0 : i32
    %dma_start3A_90 = tpu.memref_slice %arg6[%dma_start3A, %dma_start3A_89] : memref<4x32xi32, #tpu.memory_space<vmem>> -> memref<1x32xi32, #tpu.memory_space<vmem>>
    %dma_start3A_91 = tpu.memref_squeeze %dma_start3A_90 : memref<1x32xi32, #tpu.memory_space<vmem>> -> memref<32xi32, #tpu.memory_space<vmem>>
    %dma_start3A_92 = arith.constant 0 : i32
    %dma_start3A_93 = arith.constant 0 : i32
    %dma_start3A_94 = tpu.memref_slice %arg2[%dma_start3A_92, %dma_start3A_93] : memref<4097x1024xf32, #tpu.memory_space<hbm>> -> memref<4097x1024xf32, #tpu.memory_space<hbm>>
    tpu.enqueue_indirect_dma source(%dma_start3A_94 : memref<4097x1024xf32, #tpu.memory_space<hbm>>) target(%arg7 : memref<32x1024xf32, #tpu.memory_space<vmem>>) offsets(%dma_start3A_91 : memref<32xi32, #tpu.memory_space<vmem>>) semaphore(%arg11 : memref<!tpu.dma_semaphore, #tpu.memory_space<semaphore_mem>>)
    %dma_start3A_95 = arith.constant 1 : i32
    %dma_start3A_96 = arith.constant 0 : i32
    %dma_start3A_97 = tpu.memref_slice %arg6[%dma_start3A_95, %dma_start3A_96] : memref<4x32xi32, #tpu.memory_space<vmem>> -> memref<1x32xi32, #tpu.memory_space<vmem>>
    %dma_start3A_98 = tpu.memref_squeeze %dma_start3A_97 : memref<1x32xi32, #tpu.memory_space<vmem>> -> memref<32xi32, #tpu.memory_space<vmem>>
    %dma_start3A_99 = arith.constant 0 : i32
    %dma_start3A_100 = arith.constant 0 : i32
    %dma_start3A_101 = tpu.memref_slice %arg2[%dma_start3A_99, %dma_start3A_100] : memref<4097x1024xf32, #tpu.memory_space<hbm>> -> memref<4097x1024xf32, #tpu.memory_space<hbm>>
    tpu.enqueue_indirect_dma source(%dma_start3A_101 : memref<4097x1024xf32, #tpu.memory_space<hbm>>) target(%arg8 : memref<32x1024xf32, #tpu.memory_space<vmem>>) offsets(%dma_start3A_98 : memref<32xi32, #tpu.memory_space<vmem>>) semaphore(%arg12 : memref<!tpu.dma_semaphore, #tpu.memory_space<semaphore_mem>>)
    %dma_start3A_102 = arith.constant 2 : i32
    %dma_start3A_103 = arith.constant 0 : i32
    %dma_start3A_104 = tpu.memref_slice %arg6[%dma_start3A_102, %dma_start3A_103] : memref<4x32xi32, #tpu.memory_space<vmem>> -> memref<1x32xi32, #tpu.memory_space<vmem>>
    %dma_start3A_105 = tpu.memref_squeeze %dma_start3A_104 : memref<1x32xi32, #tpu.memory_space<vmem>> -> memref<32xi32, #tpu.memory_space<vmem>>
    %dma_start3A_106 = arith.constant 0 : i32
    %dma_start3A_107 = arith.constant 0 : i32
    %dma_start3A_108 = tpu.memref_slice %arg2[%dma_start3A_106, %dma_start3A_107] : memref<4097x1024xf32, #tpu.memory_space<hbm>> -> memref<4097x1024xf32, #tpu.memory_space<hbm>>
    tpu.enqueue_indirect_dma source(%dma_start3A_108 : memref<4097x1024xf32, #tpu.memory_space<hbm>>) target(%arg9 : memref<32x1024xf32, #tpu.memory_space<vmem>>) offsets(%dma_start3A_105 : memref<32xi32, #tpu.memory_space<vmem>>) semaphore(%arg13 : memref<!tpu.dma_semaphore, #tpu.memory_space<semaphore_mem>>)
    %dma_start3A_109 = arith.constant 0 : i32
    %dma_start3A_110 = arith.constant 0 : i32
    %dma_start3A_111 = arith.constant 0 : i32
    %dma_start3A_112 = tpu.memref_slice %arg5[%dma_start3A_110, %dma_start3A_111] : memref<4x128xi32, #tpu.memory_space<vmem>> -> memref<1x128xi32, #tpu.memory_space<vmem>>
    %dma_start3A_113 = tpu.memref_squeeze %dma_start3A_112 : memref<1x128xi32, #tpu.memory_space<vmem>> -> memref<128xi32, #tpu.memory_space<vmem>>
    %dma_start3A_114 = tpu.memref_slice %arg3[%dma_start3A_109, %mul3A_2] : memref<4x4096xi32, #tpu.memory_space<hbm>> -> memref<1x128xi32, #tpu.memory_space<hbm>>
    %dma_start3A_115 = tpu.memref_squeeze %dma_start3A_114 : memref<1x128xi32, #tpu.memory_space<hbm>> -> memref<128xi32, #tpu.memory_space<hbm>>
    %dma_start3A_116 = arith.constant 0 : i32
    %dma_start3A_117 = tpu.memref_slice %arg5[%dma_start3A_110, %dma_start3A_116] : memref<4x128xi32, #tpu.memory_space<vmem>> -> memref<1x128xi32, #tpu.memory_space<vmem>>
    %dma_start3A_118 = tpu.memref_squeeze %dma_start3A_117 : memref<1x128xi32, #tpu.memory_space<vmem>> -> memref<128xi32, #tpu.memory_space<vmem>>
    %dma_start3A_119 = tpu.memref_slice %arg3[%dma_start3A_109, %mul3A_2] : memref<4x4096xi32, #tpu.memory_space<hbm>> -> memref<1x128xi32, #tpu.memory_space<hbm>>
    %dma_start3A_120 = tpu.memref_squeeze %dma_start3A_119 : memref<1x128xi32, #tpu.memory_space<hbm>> -> memref<128xi32, #tpu.memory_space<hbm>>
    tpu.enqueue_dma source(%dma_start3A_120 : memref<128xi32, #tpu.memory_space<hbm>>) target(%dma_start3A_118 : memref<128xi32, #tpu.memory_space<vmem>>) target_semaphore(%arg17 : memref<!tpu.dma_semaphore, #tpu.memory_space<semaphore_mem>>)
    %dma_start3A_121 = arith.constant 1 : i32
    %dma_start3A_122 = arith.constant 1 : i32
    %dma_start3A_123 = arith.constant 0 : i32
    %dma_start3A_124 = tpu.memref_slice %arg5[%dma_start3A_122, %dma_start3A_123] : memref<4x128xi32, #tpu.memory_space<vmem>> -> memref<1x128xi32, #tpu.memory_space<vmem>>
    %dma_start3A_125 = tpu.memref_squeeze %dma_start3A_124 : memref<1x128xi32, #tpu.memory_space<vmem>> -> memref<128xi32, #tpu.memory_space<vmem>>
    %dma_start3A_126 = tpu.memref_slice %arg3[%dma_start3A_121, %mul3A_2] : memref<4x4096xi32, #tpu.memory_space<hbm>> -> memref<1x128xi32, #tpu.memory_space<hbm>>
    %dma_start3A_127 = tpu.memref_squeeze %dma_start3A_126 : memref<1x128xi32, #tpu.memory_space<hbm>> -> memref<128xi32, #tpu.memory_space<hbm>>
    %dma_start3A_128 = arith.constant 0 : i32
    %dma_start3A_129 = tpu.memref_slice %arg5[%dma_start3A_122, %dma_start3A_128] : memref<4x128xi32, #tpu.memory_space<vmem>> -> memref<1x128xi32, #tpu.memory_space<vmem>>
    %dma_start3A_130 = tpu.memref_squeeze %dma_start3A_129 : memref<1x128xi32, #tpu.memory_space<vmem>> -> memref<128xi32, #tpu.memory_space<vmem>>
    %dma_start3A_131 = tpu.memref_slice %arg3[%dma_start3A_121, %mul3A_2] : memref<4x4096xi32, #tpu.memory_space<hbm>> -> memref<1x128xi32, #tpu.memory_space<hbm>>
    %dma_start3A_132 = tpu.memref_squeeze %dma_start3A_131 : memref<1x128xi32, #tpu.memory_space<hbm>> -> memref<128xi32, #tpu.memory_space<hbm>>
    tpu.enqueue_dma source(%dma_start3A_132 : memref<128xi32, #tpu.memory_space<hbm>>) target(%dma_start3A_130 : memref<128xi32, #tpu.memory_space<vmem>>) target_semaphore(%arg17 : memref<!tpu.dma_semaphore, #tpu.memory_space<semaphore_mem>>)
    %dma_start3A_133 = arith.constant 2 : i32
    %dma_start3A_134 = arith.constant 2 : i32
    %dma_start3A_135 = arith.constant 0 : i32
    %dma_start3A_136 = tpu.memref_slice %arg5[%dma_start3A_134, %dma_start3A_135] : memref<4x128xi32, #tpu.memory_space<vmem>> -> memref<1x128xi32, #tpu.memory_space<vmem>>
    %dma_start3A_137 = tpu.memref_squeeze %dma_start3A_136 : memref<1x128xi32, #tpu.memory_space<vmem>> -> memref<128xi32, #tpu.memory_space<vmem>>
    %dma_start3A_138 = tpu.memref_slice %arg3[%dma_start3A_133, %mul3A_2] : memref<4x4096xi32, #tpu.memory_space<hbm>> -> memref<1x128xi32, #tpu.memory_space<hbm>>
    %dma_start3A_139 = tpu.memref_squeeze %dma_start3A_138 : memref<1x128xi32, #tpu.memory_space<hbm>> -> memref<128xi32, #tpu.memory_space<hbm>>
    %dma_start3A_140 = arith.constant 0 : i32
    %dma_start3A_141 = tpu.memref_slice %arg5[%dma_start3A_134, %dma_start3A_140] : memref<4x128xi32, #tpu.memory_space<vmem>> -> memref<1x128xi32, #tpu.memory_space<vmem>>
    %dma_start3A_142 = tpu.memref_squeeze %dma_start3A_141 : memref<1x128xi32, #tpu.memory_space<vmem>> -> memref<128xi32, #tpu.memory_space<vmem>>
    %dma_start3A_143 = tpu.memref_slice %arg3[%dma_start3A_133, %mul3A_2] : memref<4x4096xi32, #tpu.memory_space<hbm>> -> memref<1x128xi32, #tpu.memory_space<hbm>>
    %dma_start3A_144 = tpu.memref_squeeze %dma_start3A_143 : memref<1x128xi32, #tpu.memory_space<hbm>> -> memref<128xi32, #tpu.memory_space<hbm>>
    tpu.enqueue_dma source(%dma_start3A_144 : memref<128xi32, #tpu.memory_space<hbm>>) target(%dma_start3A_142 : memref<128xi32, #tpu.memory_space<vmem>>) target_semaphore(%arg17 : memref<!tpu.dma_semaphore, #tpu.memory_space<semaphore_mem>>)
    %dma_start3A_145 = arith.constant 3 : i32
    %dma_start3A_146 = arith.constant 3 : i32
    %dma_start3A_147 = arith.constant 0 : i32
    %dma_start3A_148 = tpu.memref_slice %arg5[%dma_start3A_146, %dma_start3A_147] : memref<4x128xi32, #tpu.memory_space<vmem>> -> memref<1x128xi32, #tpu.memory_space<vmem>>
    %dma_start3A_149 = tpu.memref_squeeze %dma_start3A_148 : memref<1x128xi32, #tpu.memory_space<vmem>> -> memref<128xi32, #tpu.memory_space<vmem>>
    %dma_start3A_150 = tpu.memref_slice %arg3[%dma_start3A_145, %mul3A_2] : memref<4x4096xi32, #tpu.memory_space<hbm>> -> memref<1x128xi32, #tpu.memory_space<hbm>>
    %dma_start3A_151 = tpu.memref_squeeze %dma_start3A_150 : memref<1x128xi32, #tpu.memory_space<hbm>> -> memref<128xi32, #tpu.memory_space<hbm>>
    %dma_start3A_152 = arith.constant 0 : i32
    %dma_start3A_153 = tpu.memref_slice %arg5[%dma_start3A_146, %dma_start3A_152] : memref<4x128xi32, #tpu.memory_space<vmem>> -> memref<1x128xi32, #tpu.memory_space<vmem>>
    %dma_start3A_154 = tpu.memref_squeeze %dma_start3A_153 : memref<1x128xi32, #tpu.memory_space<vmem>> -> memref<128xi32, #tpu.memory_space<vmem>>
    %dma_start3A_155 = tpu.memref_slice %arg3[%dma_start3A_145, %mul3A_2] : memref<4x4096xi32, #tpu.memory_space<hbm>> -> memref<1x128xi32, #tpu.memory_space<hbm>>
    %dma_start3A_156 = tpu.memref_squeeze %dma_start3A_155 : memref<1x128xi32, #tpu.memory_space<hbm>> -> memref<128xi32, #tpu.memory_space<hbm>>
    tpu.enqueue_dma source(%dma_start3A_156 : memref<128xi32, #tpu.memory_space<hbm>>) target(%dma_start3A_154 : memref<128xi32, #tpu.memory_space<vmem>>) target_semaphore(%arg17 : memref<!tpu.dma_semaphore, #tpu.memory_space<semaphore_mem>>)
    %dma_wait3A = arith.constant 0 : i32
    %dma_wait3A_157 = arith.constant 0 : i32
    %dma_wait3A_158 = tpu.memref_slice %arg6[%dma_wait3A, %dma_wait3A_157] : memref<4x32xi32, #tpu.memory_space<vmem>> -> memref<1x32xi32, #tpu.memory_space<vmem>>
    %dma_wait3A_159 = tpu.memref_squeeze %dma_wait3A_158 : memref<1x32xi32, #tpu.memory_space<vmem>> -> memref<32xi32, #tpu.memory_space<vmem>>
    %dma_wait3A_160 = arith.constant 0 : i32
    %dma_wait3A_161 = arith.constant 0 : i32
    %dma_wait3A_162 = tpu.memref_slice %arg2[%dma_wait3A_160, %dma_wait3A_161] : memref<4097x1024xf32, #tpu.memory_space<hbm>> -> memref<4097x1024xf32, #tpu.memory_space<hbm>>
    tpu.wait_indirect_dma semaphore(%arg11 : memref<!tpu.dma_semaphore, #tpu.memory_space<semaphore_mem>>) src(%dma_wait3A_162 : memref<4097x1024xf32, #tpu.memory_space<hbm>>) dst(%arg7 : memref<32x1024xf32, #tpu.memory_space<vmem>>)
    %add3A_163 = arith.constant 0 : i32
    %add3A_164 = arith.addi %add3A_163, %mul3A_2 : i32
    %add3A_165 = arith.constant 0 : i32
    %add3A_166 = arith.addi %add3A_164, %add3A_165 : i32
    %dma_start3A_167 = arith.constant 0 : i32
    %dma_start3A_168 = tpu.memref_slice %arg4[%add3A_166, %dma_start3A_167] : memref<16384x1024xf32, #tpu.memory_space<hbm>> -> memref<32x1024xf32, #tpu.memory_space<hbm>>
    %dma_start3A_169 = arith.constant 0 : i32
    %dma_start3A_170 = tpu.memref_slice %arg4[%add3A_166, %dma_start3A_169] : memref<16384x1024xf32, #tpu.memory_space<hbm>> -> memref<32x1024xf32, #tpu.memory_space<hbm>>
    tpu.enqueue_dma source(%arg7 : memref<32x1024xf32, #tpu.memory_space<vmem>>) target(%dma_start3A_170 : memref<32x1024xf32, #tpu.memory_space<hbm>>) target_semaphore(%arg14 : memref<!tpu.dma_semaphore, #tpu.memory_space<semaphore_mem>>)
    %add3A_171 = arith.constant 4096 : i32
    %add3A_172 = arith.addi %add3A_171, %mul3A_2 : i32
    %add3A_173 = arith.constant 0 : i32
    %add3A_174 = arith.addi %add3A_172, %add3A_173 : i32
    %dma_start3A_175 = arith.constant 0 : i32
    %dma_start3A_176 = tpu.memref_slice %arg4[%add3A_174, %dma_start3A_175] : memref<16384x1024xf32, #tpu.memory_space<hbm>> -> memref<32x1024xf32, #tpu.memory_space<hbm>>
    %dma_start3A_177 = arith.constant 0 : i32
    %dma_start3A_178 = tpu.memref_slice %arg4[%add3A_174, %dma_start3A_177] : memref<16384x1024xf32, #tpu.memory_space<hbm>> -> memref<32x1024xf32, #tpu.memory_space<hbm>>
    tpu.enqueue_dma source(%arg7 : memref<32x1024xf32, #tpu.memory_space<vmem>>) target(%dma_start3A_178 : memref<32x1024xf32, #tpu.memory_space<hbm>>) target_semaphore(%arg14 : memref<!tpu.dma_semaphore, #tpu.memory_space<semaphore_mem>>)
    %add3A_179 = arith.constant 8192 : i32
    %add3A_180 = arith.addi %add3A_179, %mul3A_2 : i32
    %add3A_181 = arith.constant 0 : i32
    %add3A_182 = arith.addi %add3A_180, %add3A_181 : i32
    %dma_start3A_183 = arith.constant 0 : i32
    %dma_start3A_184 = tpu.memref_slice %arg4[%add3A_182, %dma_start3A_183] : memref<16384x1024xf32, #tpu.memory_space<hbm>> -> memref<32x1024xf32, #tpu.memory_space<hbm>>
    %dma_start3A_185 = arith.constant 0 : i32
    %dma_start3A_186 = tpu.memref_slice %arg4[%add3A_182, %dma_start3A_185] : memref<16384x1024xf32, #tpu.memory_space<hbm>> -> memref<32x1024xf32, #tpu.memory_space<hbm>>
    tpu.enqueue_dma source(%arg7 : memref<32x1024xf32, #tpu.memory_space<vmem>>) target(%dma_start3A_186 : memref<32x1024xf32, #tpu.memory_space<hbm>>) target_semaphore(%arg14 : memref<!tpu.dma_semaphore, #tpu.memory_space<semaphore_mem>>)
    %add3A_187 = arith.constant 12288 : i32
    %add3A_188 = arith.addi %add3A_187, %mul3A_2 : i32
    %add3A_189 = arith.constant 0 : i32
    %add3A_190 = arith.addi %add3A_188, %add3A_189 : i32
    %dma_start3A_191 = arith.constant 0 : i32
    %dma_start3A_192 = tpu.memref_slice %arg4[%add3A_190, %dma_start3A_191] : memref<16384x1024xf32, #tpu.memory_space<hbm>> -> memref<32x1024xf32, #tpu.memory_space<hbm>>
    %dma_start3A_193 = arith.constant 0 : i32
    %dma_start3A_194 = tpu.memref_slice %arg4[%add3A_190, %dma_start3A_193] : memref<16384x1024xf32, #tpu.memory_space<hbm>> -> memref<32x1024xf32, #tpu.memory_space<hbm>>
    tpu.enqueue_dma source(%arg7 : memref<32x1024xf32, #tpu.memory_space<vmem>>) target(%dma_start3A_194 : memref<32x1024xf32, #tpu.memory_space<hbm>>) target_semaphore(%arg14 : memref<!tpu.dma_semaphore, #tpu.memory_space<semaphore_mem>>)
    %dma_wait3A_195 = arith.constant 1 : i32
    %dma_wait3A_196 = arith.constant 0 : i32
    %dma_wait3A_197 = tpu.memref_slice %arg6[%dma_wait3A_195, %dma_wait3A_196] : memref<4x32xi32, #tpu.memory_space<vmem>> -> memref<1x32xi32, #tpu.memory_space<vmem>>
    %dma_wait3A_198 = tpu.memref_squeeze %dma_wait3A_197 : memref<1x32xi32, #tpu.memory_space<vmem>> -> memref<32xi32, #tpu.memory_space<vmem>>
    %dma_wait3A_199 = arith.constant 0 : i32
    %dma_wait3A_200 = arith.constant 0 : i32
    %dma_wait3A_201 = tpu.memref_slice %arg2[%dma_wait3A_199, %dma_wait3A_200] : memref<4097x1024xf32, #tpu.memory_space<hbm>> -> memref<4097x1024xf32, #tpu.memory_space<hbm>>
    tpu.wait_indirect_dma semaphore(%arg12 : memref<!tpu.dma_semaphore, #tpu.memory_space<semaphore_mem>>) src(%dma_wait3A_201 : memref<4097x1024xf32, #tpu.memory_space<hbm>>) dst(%arg8 : memref<32x1024xf32, #tpu.memory_space<vmem>>)
    %add3A_202 = arith.constant 0 : i32
    %add3A_203 = arith.addi %add3A_202, %mul3A_2 : i32
    %add3A_204 = arith.constant 32 : i32
    %add3A_205 = arith.addi %add3A_203, %add3A_204 : i32
    %dma_start3A_206 = arith.constant 0 : i32
    %dma_start3A_207 = tpu.memref_slice %arg4[%add3A_205, %dma_start3A_206] : memref<16384x1024xf32, #tpu.memory_space<hbm>> -> memref<32x1024xf32, #tpu.memory_space<hbm>>
    %dma_start3A_208 = arith.constant 0 : i32
    %dma_start3A_209 = tpu.memref_slice %arg4[%add3A_205, %dma_start3A_208] : memref<16384x1024xf32, #tpu.memory_space<hbm>> -> memref<32x1024xf32, #tpu.memory_space<hbm>>
    tpu.enqueue_dma source(%arg8 : memref<32x1024xf32, #tpu.memory_space<vmem>>) target(%dma_start3A_209 : memref<32x1024xf32, #tpu.memory_space<hbm>>) target_semaphore(%arg15 : memref<!tpu.dma_semaphore, #tpu.memory_space<semaphore_mem>>)
    %add3A_210 = arith.constant 4096 : i32
    %add3A_211 = arith.addi %add3A_210, %mul3A_2 : i32
    %add3A_212 = arith.constant 32 : i32
    %add3A_213 = arith.addi %add3A_211, %add3A_212 : i32
    %dma_start3A_214 = arith.constant 0 : i32
    %dma_start3A_215 = tpu.memref_slice %arg4[%add3A_213, %dma_start3A_214] : memref<16384x1024xf32, #tpu.memory_space<hbm>> -> memref<32x1024xf32, #tpu.memory_space<hbm>>
    %dma_start3A_216 = arith.constant 0 : i32
    %dma_start3A_217 = tpu.memref_slice %arg4[%add3A_213, %dma_start3A_216] : memref<16384x1024xf32, #tpu.memory_space<hbm>> -> memref<32x1024xf32, #tpu.memory_space<hbm>>
    tpu.enqueue_dma source(%arg8 : memref<32x1024xf32, #tpu.memory_space<vmem>>) target(%dma_start3A_217 : memref<32x1024xf32, #tpu.memory_space<hbm>>) target_semaphore(%arg15 : memref<!tpu.dma_semaphore, #tpu.memory_space<semaphore_mem>>)
    %add3A_218 = arith.constant 8192 : i32
    %add3A_219 = arith.addi %add3A_218, %mul3A_2 : i32
    %add3A_220 = arith.constant 32 : i32
    %add3A_221 = arith.addi %add3A_219, %add3A_220 : i32
    %dma_start3A_222 = arith.constant 0 : i32
    %dma_start3A_223 = tpu.memref_slice %arg4[%add3A_221, %dma_start3A_222] : memref<16384x1024xf32, #tpu.memory_space<hbm>> -> memref<32x1024xf32, #tpu.memory_space<hbm>>
    %dma_start3A_224 = arith.constant 0 : i32
    %dma_start3A_225 = tpu.memref_slice %arg4[%add3A_221, %dma_start3A_224] : memref<16384x1024xf32, #tpu.memory_space<hbm>> -> memref<32x1024xf32, #tpu.memory_space<hbm>>
    tpu.enqueue_dma source(%arg8 : memref<32x1024xf32, #tpu.memory_space<vmem>>) target(%dma_start3A_225 : memref<32x1024xf32, #tpu.memory_space<hbm>>) target_semaphore(%arg15 : memref<!tpu.dma_semaphore, #tpu.memory_space<semaphore_mem>>)
    %add3A_226 = arith.constant 12288 : i32
    %add3A_227 = arith.addi %add3A_226, %mul3A_2 : i32
    %add3A_228 = arith.constant 32 : i32
    %add3A_229 = arith.addi %add3A_227, %add3A_228 : i32
    %dma_start3A_230 = arith.constant 0 : i32
    %dma_start3A_231 = tpu.memref_slice %arg4[%add3A_229, %dma_start3A_230] : memref<16384x1024xf32, #tpu.memory_space<hbm>> -> memref<32x1024xf32, #tpu.memory_space<hbm>>
    %dma_start3A_232 = arith.constant 0 : i32
    %dma_start3A_233 = tpu.memref_slice %arg4[%add3A_229, %dma_start3A_232] : memref<16384x1024xf32, #tpu.memory_space<hbm>> -> memref<32x1024xf32, #tpu.memory_space<hbm>>
    tpu.enqueue_dma source(%arg8 : memref<32x1024xf32, #tpu.memory_space<vmem>>) target(%dma_start3A_233 : memref<32x1024xf32, #tpu.memory_space<hbm>>) target_semaphore(%arg15 : memref<!tpu.dma_semaphore, #tpu.memory_space<semaphore_mem>>)
    %dma_wait3A_234 = arith.constant 2 : i32
    %dma_wait3A_235 = arith.constant 0 : i32
    %dma_wait3A_236 = tpu.memref_slice %arg6[%dma_wait3A_234, %dma_wait3A_235] : memref<4x32xi32, #tpu.memory_space<vmem>> -> memref<1x32xi32, #tpu.memory_space<vmem>>
    %dma_wait3A_237 = tpu.memref_squeeze %dma_wait3A_236 : memref<1x32xi32, #tpu.memory_space<vmem>> -> memref<32xi32, #tpu.memory_space<vmem>>
    %dma_wait3A_238 = arith.constant 0 : i32
    %dma_wait3A_239 = arith.constant 0 : i32
    %dma_wait3A_240 = tpu.memref_slice %arg2[%dma_wait3A_238, %dma_wait3A_239] : memref<4097x1024xf32, #tpu.memory_space<hbm>> -> memref<4097x1024xf32, #tpu.memory_space<hbm>>
    tpu.wait_indirect_dma semaphore(%arg13 : memref<!tpu.dma_semaphore, #tpu.memory_space<semaphore_mem>>) src(%dma_wait3A_240 : memref<4097x1024xf32, #tpu.memory_space<hbm>>) dst(%arg9 : memref<32x1024xf32, #tpu.memory_space<vmem>>)
    %dma_wait3A_241 = arith.constant 0 : i32
    %dma_wait3A_242 = tpu.memref_slice %arg4[%add3A_166, %dma_wait3A_241] : memref<16384x1024xf32, #tpu.memory_space<hbm>> -> memref<32x1024xf32, #tpu.memory_space<hbm>>
    %dma_wait3A_243 = arith.constant 0 : i32
    %dma_wait3A_244 = tpu.memref_slice %arg4[%add3A_166, %dma_wait3A_243] : memref<16384x1024xf32, #tpu.memory_space<hbm>> -> memref<32x1024xf32, #tpu.memory_space<hbm>>
    tpu.wait_dma2 semaphore(%arg14 : memref<!tpu.dma_semaphore, #tpu.memory_space<semaphore_mem>>) src(%arg7 : memref<32x1024xf32, #tpu.memory_space<vmem>>) dst(%dma_wait3A_244 : memref<32x1024xf32, #tpu.memory_space<hbm>>)
    %dma_wait3A_245 = arith.constant 0 : i32
    %dma_wait3A_246 = tpu.memref_slice %arg4[%add3A_174, %dma_wait3A_245] : memref<16384x1024xf32, #tpu.memory_space<hbm>> -> memref<32x1024xf32, #tpu.memory_space<hbm>>
    %dma_wait3A_247 = arith.constant 0 : i32
    %dma_wait3A_248 = tpu.memref_slice %arg4[%add3A_174, %dma_wait3A_247] : memref<16384x1024xf32, #tpu.memory_space<hbm>> -> memref<32x1024xf32, #tpu.memory_space<hbm>>
    tpu.wait_dma2 semaphore(%arg14 : memref<!tpu.dma_semaphore, #tpu.memory_space<semaphore_mem>>) src(%arg7 : memref<32x1024xf32, #tpu.memory_space<vmem>>) dst(%dma_wait3A_248 : memref<32x1024xf32, #tpu.memory_space<hbm>>)
    %dma_wait3A_249 = arith.constant 0 : i32
    %dma_wait3A_250 = tpu.memref_slice %arg4[%add3A_182, %dma_wait3A_249] : memref<16384x1024xf32, #tpu.memory_space<hbm>> -> memref<32x1024xf32, #tpu.memory_space<hbm>>
    %dma_wait3A_251 = arith.constant 0 : i32
    %dma_wait3A_252 = tpu.memref_slice %arg4[%add3A_182, %dma_wait3A_251] : memref<16384x1024xf32, #tpu.memory_space<hbm>> -> memref<32x1024xf32, #tpu.memory_space<hbm>>
    tpu.wait_dma2 semaphore(%arg14 : memref<!tpu.dma_semaphore, #tpu.memory_space<semaphore_mem>>) src(%arg7 : memref<32x1024xf32, #tpu.memory_space<vmem>>) dst(%dma_wait3A_252 : memref<32x1024xf32, #tpu.memory_space<hbm>>)
    %dma_wait3A_253 = arith.constant 0 : i32
    %dma_wait3A_254 = tpu.memref_slice %arg4[%add3A_190, %dma_wait3A_253] : memref<16384x1024xf32, #tpu.memory_space<hbm>> -> memref<32x1024xf32, #tpu.memory_space<hbm>>
    %dma_wait3A_255 = arith.constant 0 : i32
    %dma_wait3A_256 = tpu.memref_slice %arg4[%add3A_190, %dma_wait3A_255] : memref<16384x1024xf32, #tpu.memory_space<hbm>> -> memref<32x1024xf32, #tpu.memory_space<hbm>>
    tpu.wait_dma2 semaphore(%arg14 : memref<!tpu.dma_semaphore, #tpu.memory_space<semaphore_mem>>) src(%arg7 : memref<32x1024xf32, #tpu.memory_space<vmem>>) dst(%dma_wait3A_256 : memref<32x1024xf32, #tpu.memory_space<hbm>>)
    %dma_start3A_257 = arith.constant 3 : i32
    %dma_start3A_258 = arith.constant 0 : i32
    %dma_start3A_259 = tpu.memref_slice %arg6[%dma_start3A_257, %dma_start3A_258] : memref<4x32xi32, #tpu.memory_space<vmem>> -> memref<1x32xi32, #tpu.memory_space<vmem>>
    %dma_start3A_260 = tpu.memref_squeeze %dma_start3A_259 : memref<1x32xi32, #tpu.memory_space<vmem>> -> memref<32xi32, #tpu.memory_space<vmem>>
    %dma_start3A_261 = arith.constant 0 : i32
    %dma_start3A_262 = arith.constant 0 : i32
    %dma_start3A_263 = tpu.memref_slice %arg2[%dma_start3A_261, %dma_start3A_262] : memref<4097x1024xf32, #tpu.memory_space<hbm>> -> memref<4097x1024xf32, #tpu.memory_space<hbm>>
    tpu.enqueue_indirect_dma source(%dma_start3A_263 : memref<4097x1024xf32, #tpu.memory_space<hbm>>) target(%arg7 : memref<32x1024xf32, #tpu.memory_space<vmem>>) offsets(%dma_start3A_260 : memref<32xi32, #tpu.memory_space<vmem>>) semaphore(%arg11 : memref<!tpu.dma_semaphore, #tpu.memory_space<semaphore_mem>>)
    %add3A_264 = arith.constant 0 : i32
    %add3A_265 = arith.addi %add3A_264, %mul3A_2 : i32
    %add3A_266 = arith.constant 64 : i32
    %add3A_267 = arith.addi %add3A_265, %add3A_266 : i32
    %dma_start3A_268 = arith.constant 0 : i32
    %dma_start3A_269 = tpu.memref_slice %arg4[%add3A_267, %dma_start3A_268] : memref<16384x1024xf32, #tpu.memory_space<hbm>> -> memref<32x1024xf32, #tpu.memory_space<hbm>>
    %dma_start3A_270 = arith.constant 0 : i32
    %dma_start3A_271 = tpu.memref_slice %arg4[%add3A_267, %dma_start3A_270] : memref<16384x1024xf32, #tpu.memory_space<hbm>> -> memref<32x1024xf32, #tpu.memory_space<hbm>>
    tpu.enqueue_dma source(%arg9 : memref<32x1024xf32, #tpu.memory_space<vmem>>) target(%dma_start3A_271 : memref<32x1024xf32, #tpu.memory_space<hbm>>) target_semaphore(%arg16 : memref<!tpu.dma_semaphore, #tpu.memory_space<semaphore_mem>>)
    %add3A_272 = arith.constant 4096 : i32
    %add3A_273 = arith.addi %add3A_272, %mul3A_2 : i32
    %add3A_274 = arith.constant 64 : i32
    %add3A_275 = arith.addi %add3A_273, %add3A_274 : i32
    %dma_start3A_276 = arith.constant 0 : i32
    %dma_start3A_277 = tpu.memref_slice %arg4[%add3A_275, %dma_start3A_276] : memref<16384x1024xf32, #tpu.memory_space<hbm>> -> memref<32x1024xf32, #tpu.memory_space<hbm>>
    %dma_start3A_278 = arith.constant 0 : i32
    %dma_start3A_279 = tpu.memref_slice %arg4[%add3A_275, %dma_start3A_278] : memref<16384x1024xf32, #tpu.memory_space<hbm>> -> memref<32x1024xf32, #tpu.memory_space<hbm>>
    tpu.enqueue_dma source(%arg9 : memref<32x1024xf32, #tpu.memory_space<vmem>>) target(%dma_start3A_279 : memref<32x1024xf32, #tpu.memory_space<hbm>>) target_semaphore(%arg16 : memref<!tpu.dma_semaphore, #tpu.memory_space<semaphore_mem>>)
    %add3A_280 = arith.constant 8192 : i32
    %add3A_281 = arith.addi %add3A_280, %mul3A_2 : i32
    %add3A_282 = arith.constant 64 : i32
    %add3A_283 = arith.addi %add3A_281, %add3A_282 : i32
    %dma_start3A_284 = arith.constant 0 : i32
    %dma_start3A_285 = tpu.memref_slice %arg4[%add3A_283, %dma_start3A_284] : memref<16384x1024xf32, #tpu.memory_space<hbm>> -> memref<32x1024xf32, #tpu.memory_space<hbm>>
    %dma_start3A_286 = arith.constant 0 : i32
    %dma_start3A_287 = tpu.memref_slice %arg4[%add3A_283, %dma_start3A_286] : memref<16384x1024xf32, #tpu.memory_space<hbm>> -> memref<32x1024xf32, #tpu.memory_space<hbm>>
    tpu.enqueue_dma source(%arg9 : memref<32x1024xf32, #tpu.memory_space<vmem>>) target(%dma_start3A_287 : memref<32x1024xf32, #tpu.memory_space<hbm>>) target_semaphore(%arg16 : memref<!tpu.dma_semaphore, #tpu.memory_space<semaphore_mem>>)
    %add3A_288 = arith.constant 12288 : i32
    %add3A_289 = arith.addi %add3A_288, %mul3A_2 : i32
    %add3A_290 = arith.constant 64 : i32
    %add3A_291 = arith.addi %add3A_289, %add3A_290 : i32
    %dma_start3A_292 = arith.constant 0 : i32
    %dma_start3A_293 = tpu.memref_slice %arg4[%add3A_291, %dma_start3A_292] : memref<16384x1024xf32, #tpu.memory_space<hbm>> -> memref<32x1024xf32, #tpu.memory_space<hbm>>
    %dma_start3A_294 = arith.constant 0 : i32
    %dma_start3A_295 = tpu.memref_slice %arg4[%add3A_291, %dma_start3A_294] : memref<16384x1024xf32, #tpu.memory_space<hbm>> -> memref<32x1024xf32, #tpu.memory_space<hbm>>
    tpu.enqueue_dma source(%arg9 : memref<32x1024xf32, #tpu.memory_space<vmem>>) target(%dma_start3A_295 : memref<32x1024xf32, #tpu.memory_space<hbm>>) target_semaphore(%arg16 : memref<!tpu.dma_semaphore, #tpu.memory_space<semaphore_mem>>)
    %dma_wait3A_296 = arith.constant 3 : i32
    %dma_wait3A_297 = arith.constant 0 : i32
    %dma_wait3A_298 = tpu.memref_slice %arg6[%dma_wait3A_296, %dma_wait3A_297] : memref<4x32xi32, #tpu.memory_space<vmem>> -> memref<1x32xi32, #tpu.memory_space<vmem>>
    %dma_wait3A_299 = tpu.memref_squeeze %dma_wait3A_298 : memref<1x32xi32, #tpu.memory_space<vmem>> -> memref<32xi32, #tpu.memory_space<vmem>>
    %dma_wait3A_300 = arith.constant 0 : i32
    %dma_wait3A_301 = arith.constant 0 : i32
    %dma_wait3A_302 = tpu.memref_slice %arg2[%dma_wait3A_300, %dma_wait3A_301] : memref<4097x1024xf32, #tpu.memory_space<hbm>> -> memref<4097x1024xf32, #tpu.memory_space<hbm>>
    tpu.wait_indirect_dma semaphore(%arg11 : memref<!tpu.dma_semaphore, #tpu.memory_space<semaphore_mem>>) src(%dma_wait3A_302 : memref<4097x1024xf32, #tpu.memory_space<hbm>>) dst(%arg7 : memref<32x1024xf32, #tpu.memory_space<vmem>>)
    %add3A_303 = arith.constant 0 : i32
    %add3A_304 = arith.addi %add3A_303, %mul3A_2 : i32
    %add3A_305 = arith.constant 96 : i32
    %add3A_306 = arith.addi %add3A_304, %add3A_305 : i32
    %dma_start3A_307 = arith.constant 0 : i32
    %dma_start3A_308 = tpu.memref_slice %arg4[%add3A_306, %dma_start3A_307] : memref<16384x1024xf32, #tpu.memory_space<hbm>> -> memref<32x1024xf32, #tpu.memory_space<hbm>>
    %dma_start3A_309 = arith.constant 0 : i32
    %dma_start3A_310 = tpu.memref_slice %arg4[%add3A_306, %dma_start3A_309] : memref<16384x1024xf32, #tpu.memory_space<hbm>> -> memref<32x1024xf32, #tpu.memory_space<hbm>>
    tpu.enqueue_dma source(%arg7 : memref<32x1024xf32, #tpu.memory_space<vmem>>) target(%dma_start3A_310 : memref<32x1024xf32, #tpu.memory_space<hbm>>) target_semaphore(%arg14 : memref<!tpu.dma_semaphore, #tpu.memory_space<semaphore_mem>>)
    %add3A_311 = arith.constant 4096 : i32
    %add3A_312 = arith.addi %add3A_311, %mul3A_2 : i32
    %add3A_313 = arith.constant 96 : i32
    %add3A_314 = arith.addi %add3A_312, %add3A_313 : i32
    %dma_start3A_315 = arith.constant 0 : i32
    %dma_start3A_316 = tpu.memref_slice %arg4[%add3A_314, %dma_start3A_315] : memref<16384x1024xf32, #tpu.memory_space<hbm>> -> memref<32x1024xf32, #tpu.memory_space<hbm>>
    %dma_start3A_317 = arith.constant 0 : i32
    %dma_start3A_318 = tpu.memref_slice %arg4[%add3A_314, %dma_start3A_317] : memref<16384x1024xf32, #tpu.memory_space<hbm>> -> memref<32x1024xf32, #tpu.memory_space<hbm>>
    tpu.enqueue_dma source(%arg7 : memref<32x1024xf32, #tpu.memory_space<vmem>>) target(%dma_start3A_318 : memref<32x1024xf32, #tpu.memory_space<hbm>>) target_semaphore(%arg14 : memref<!tpu.dma_semaphore, #tpu.memory_space<semaphore_mem>>)
    %add3A_319 = arith.constant 8192 : i32
    %add3A_320 = arith.addi %add3A_319, %mul3A_2 : i32
    %add3A_321 = arith.constant 96 : i32
    %add3A_322 = arith.addi %add3A_320, %add3A_321 : i32
    %dma_start3A_323 = arith.constant 0 : i32
    %dma_start3A_324 = tpu.memref_slice %arg4[%add3A_322, %dma_start3A_323] : memref<16384x1024xf32, #tpu.memory_space<hbm>> -> memref<32x1024xf32, #tpu.memory_space<hbm>>
    %dma_start3A_325 = arith.constant 0 : i32
    %dma_start3A_326 = tpu.memref_slice %arg4[%add3A_322, %dma_start3A_325] : memref<16384x1024xf32, #tpu.memory_space<hbm>> -> memref<32x1024xf32, #tpu.memory_space<hbm>>
    tpu.enqueue_dma source(%arg7 : memref<32x1024xf32, #tpu.memory_space<vmem>>) target(%dma_start3A_326 : memref<32x1024xf32, #tpu.memory_space<hbm>>) target_semaphore(%arg14 : memref<!tpu.dma_semaphore, #tpu.memory_space<semaphore_mem>>)
    %add3A_327 = arith.constant 12288 : i32
    %add3A_328 = arith.addi %add3A_327, %mul3A_2 : i32
    %add3A_329 = arith.constant 96 : i32
    %add3A_330 = arith.addi %add3A_328, %add3A_329 : i32
    %dma_start3A_331 = arith.constant 0 : i32
    %dma_start3A_332 = tpu.memref_slice %arg4[%add3A_330, %dma_start3A_331] : memref<16384x1024xf32, #tpu.memory_space<hbm>> -> memref<32x1024xf32, #tpu.memory_space<hbm>>
    %dma_start3A_333 = arith.constant 0 : i32
    %dma_start3A_334 = tpu.memref_slice %arg4[%add3A_330, %dma_start3A_333] : memref<16384x1024xf32, #tpu.memory_space<hbm>> -> memref<32x1024xf32, #tpu.memory_space<hbm>>
    tpu.enqueue_dma source(%arg7 : memref<32x1024xf32, #tpu.memory_space<vmem>>) target(%dma_start3A_334 : memref<32x1024xf32, #tpu.memory_space<hbm>>) target_semaphore(%arg14 : memref<!tpu.dma_semaphore, #tpu.memory_space<semaphore_mem>>)
    %dma_wait3A_335 = arith.constant 0 : i32
    %dma_wait3A_336 = tpu.memref_slice %arg4[%add3A_205, %dma_wait3A_335] : memref<16384x1024xf32, #tpu.memory_space<hbm>> -> memref<32x1024xf32, #tpu.memory_space<hbm>>
    %dma_wait3A_337 = arith.constant 0 : i32
    %dma_wait3A_338 = tpu.memref_slice %arg4[%add3A_205, %dma_wait3A_337] : memref<16384x1024xf32, #tpu.memory_space<hbm>> -> memref<32x1024xf32, #tpu.memory_space<hbm>>
    tpu.wait_dma2 semaphore(%arg15 : memref<!tpu.dma_semaphore, #tpu.memory_space<semaphore_mem>>) src(%arg8 : memref<32x1024xf32, #tpu.memory_space<vmem>>) dst(%dma_wait3A_338 : memref<32x1024xf32, #tpu.memory_space<hbm>>)
    %dma_wait3A_339 = arith.constant 0 : i32
    %dma_wait3A_340 = tpu.memref_slice %arg4[%add3A_213, %dma_wait3A_339] : memref<16384x1024xf32, #tpu.memory_space<hbm>> -> memref<32x1024xf32, #tpu.memory_space<hbm>>
    %dma_wait3A_341 = arith.constant 0 : i32
    %dma_wait3A_342 = tpu.memref_slice %arg4[%add3A_213, %dma_wait3A_341] : memref<16384x1024xf32, #tpu.memory_space<hbm>> -> memref<32x1024xf32, #tpu.memory_space<hbm>>
    tpu.wait_dma2 semaphore(%arg15 : memref<!tpu.dma_semaphore, #tpu.memory_space<semaphore_mem>>) src(%arg8 : memref<32x1024xf32, #tpu.memory_space<vmem>>) dst(%dma_wait3A_342 : memref<32x1024xf32, #tpu.memory_space<hbm>>)
    %dma_wait3A_343 = arith.constant 0 : i32
    %dma_wait3A_344 = tpu.memref_slice %arg4[%add3A_221, %dma_wait3A_343] : memref<16384x1024xf32, #tpu.memory_space<hbm>> -> memref<32x1024xf32, #tpu.memory_space<hbm>>
    %dma_wait3A_345 = arith.constant 0 : i32
    %dma_wait3A_346 = tpu.memref_slice %arg4[%add3A_221, %dma_wait3A_345] : memref<16384x1024xf32, #tpu.memory_space<hbm>> -> memref<32x1024xf32, #tpu.memory_space<hbm>>
    tpu.wait_dma2 semaphore(%arg15 : memref<!tpu.dma_semaphore, #tpu.memory_space<semaphore_mem>>) src(%arg8 : memref<32x1024xf32, #tpu.memory_space<vmem>>) dst(%dma_wait3A_346 : memref<32x1024xf32, #tpu.memory_space<hbm>>)
    %dma_wait3A_347 = arith.constant 0 : i32
    %dma_wait3A_348 = tpu.memref_slice %arg4[%add3A_229, %dma_wait3A_347] : memref<16384x1024xf32, #tpu.memory_space<hbm>> -> memref<32x1024xf32, #tpu.memory_space<hbm>>
    %dma_wait3A_349 = arith.constant 0 : i32
    %dma_wait3A_350 = tpu.memref_slice %arg4[%add3A_229, %dma_wait3A_349] : memref<16384x1024xf32, #tpu.memory_space<hbm>> -> memref<32x1024xf32, #tpu.memory_space<hbm>>
    tpu.wait_dma2 semaphore(%arg15 : memref<!tpu.dma_semaphore, #tpu.memory_space<semaphore_mem>>) src(%arg8 : memref<32x1024xf32, #tpu.memory_space<vmem>>) dst(%dma_wait3A_350 : memref<32x1024xf32, #tpu.memory_space<hbm>>)
    %dma_wait3A_351 = arith.constant 0 : i32
    %dma_wait3A_352 = tpu.memref_slice %arg4[%add3A_267, %dma_wait3A_351] : memref<16384x1024xf32, #tpu.memory_space<hbm>> -> memref<32x1024xf32, #tpu.memory_space<hbm>>
    %dma_wait3A_353 = arith.constant 0 : i32
    %dma_wait3A_354 = tpu.memref_slice %arg4[%add3A_267, %dma_wait3A_353] : memref<16384x1024xf32, #tpu.memory_space<hbm>> -> memref<32x1024xf32, #tpu.memory_space<hbm>>
    tpu.wait_dma2 semaphore(%arg16 : memref<!tpu.dma_semaphore, #tpu.memory_space<semaphore_mem>>) src(%arg9 : memref<32x1024xf32, #tpu.memory_space<vmem>>) dst(%dma_wait3A_354 : memref<32x1024xf32, #tpu.memory_space<hbm>>)
    %dma_wait3A_355 = arith.constant 0 : i32
    %dma_wait3A_356 = tpu.memref_slice %arg4[%add3A_275, %dma_wait3A_355] : memref<16384x1024xf32, #tpu.memory_space<hbm>> -> memref<32x1024xf32, #tpu.memory_space<hbm>>
    %dma_wait3A_357 = arith.constant 0 : i32
    %dma_wait3A_358 = tpu.memref_slice %arg4[%add3A_275, %dma_wait3A_357] : memref<16384x1024xf32, #tpu.memory_space<hbm>> -> memref<32x1024xf32, #tpu.memory_space<hbm>>
    tpu.wait_dma2 semaphore(%arg16 : memref<!tpu.dma_semaphore, #tpu.memory_space<semaphore_mem>>) src(%arg9 : memref<32x1024xf32, #tpu.memory_space<vmem>>) dst(%dma_wait3A_358 : memref<32x1024xf32, #tpu.memory_space<hbm>>)
    %dma_wait3A_359 = arith.constant 0 : i32
    %dma_wait3A_360 = tpu.memref_slice %arg4[%add3A_283, %dma_wait3A_359] : memref<16384x1024xf32, #tpu.memory_space<hbm>> -> memref<32x1024xf32, #tpu.memory_space<hbm>>
    %dma_wait3A_361 = arith.constant 0 : i32
    %dma_wait3A_362 = tpu.memref_slice %arg4[%add3A_283, %dma_wait3A_361] : memref<16384x1024xf32, #tpu.memory_space<hbm>> -> memref<32x1024xf32, #tpu.memory_space<hbm>>
    tpu.wait_dma2 semaphore(%arg16 : memref<!tpu.dma_semaphore, #tpu.memory_space<semaphore_mem>>) src(%arg9 : memref<32x1024xf32, #tpu.memory_space<vmem>>) dst(%dma_wait3A_362 : memref<32x1024xf32, #tpu.memory_space<hbm>>)
    %dma_wait3A_363 = arith.constant 0 : i32
    %dma_wait3A_364 = tpu.memref_slice %arg4[%add3A_291, %dma_wait3A_363] : memref<16384x1024xf32, #tpu.memory_space<hbm>> -> memref<32x1024xf32, #tpu.memory_space<hbm>>
    %dma_wait3A_365 = arith.constant 0 : i32
    %dma_wait3A_366 = tpu.memref_slice %arg4[%add3A_291, %dma_wait3A_365] : memref<16384x1024xf32, #tpu.memory_space<hbm>> -> memref<32x1024xf32, #tpu.memory_space<hbm>>
    tpu.wait_dma2 semaphore(%arg16 : memref<!tpu.dma_semaphore, #tpu.memory_space<semaphore_mem>>) src(%arg9 : memref<32x1024xf32, #tpu.memory_space<vmem>>) dst(%dma_wait3A_366 : memref<32x1024xf32, #tpu.memory_space<hbm>>)
    %dma_wait3A_367 = arith.constant 0 : i32
    %dma_wait3A_368 = tpu.memref_slice %arg4[%add3A_306, %dma_wait3A_367] : memref<16384x1024xf32, #tpu.memory_space<hbm>> -> memref<32x1024xf32, #tpu.memory_space<hbm>>
    %dma_wait3A_369 = arith.constant 0 : i32
    %dma_wait3A_370 = tpu.memref_slice %arg4[%add3A_306, %dma_wait3A_369] : memref<16384x1024xf32, #tpu.memory_space<hbm>> -> memref<32x1024xf32, #tpu.memory_space<hbm>>
    tpu.wait_dma2 semaphore(%arg14 : memref<!tpu.dma_semaphore, #tpu.memory_space<semaphore_mem>>) src(%arg7 : memref<32x1024xf32, #tpu.memory_space<vmem>>) dst(%dma_wait3A_370 : memref<32x1024xf32, #tpu.memory_space<hbm>>)
    %dma_wait3A_371 = arith.constant 0 : i32
    %dma_wait3A_372 = tpu.memref_slice %arg4[%add3A_314, %dma_wait3A_371] : memref<16384x1024xf32, #tpu.memory_space<hbm>> -> memref<32x1024xf32, #tpu.memory_space<hbm>>
    %dma_wait3A_373 = arith.constant 0 : i32
    %dma_wait3A_374 = tpu.memref_slice %arg4[%add3A_314, %dma_wait3A_373] : memref<16384x1024xf32, #tpu.memory_space<hbm>> -> memref<32x1024xf32, #tpu.memory_space<hbm>>
    tpu.wait_dma2 semaphore(%arg14 : memref<!tpu.dma_semaphore, #tpu.memory_space<semaphore_mem>>) src(%arg7 : memref<32x1024xf32, #tpu.memory_space<vmem>>) dst(%dma_wait3A_374 : memref<32x1024xf32, #tpu.memory_space<hbm>>)
    %dma_wait3A_375 = arith.constant 0 : i32
    %dma_wait3A_376 = tpu.memref_slice %arg4[%add3A_322, %dma_wait3A_375] : memref<16384x1024xf32, #tpu.memory_space<hbm>> -> memref<32x1024xf32, #tpu.memory_space<hbm>>
    %dma_wait3A_377 = arith.constant 0 : i32
    %dma_wait3A_378 = tpu.memref_slice %arg4[%add3A_322, %dma_wait3A_377] : memref<16384x1024xf32, #tpu.memory_space<hbm>> -> memref<32x1024xf32, #tpu.memory_space<hbm>>
    tpu.wait_dma2 semaphore(%arg14 : memref<!tpu.dma_semaphore, #tpu.memory_space<semaphore_mem>>) src(%arg7 : memref<32x1024xf32, #tpu.memory_space<vmem>>) dst(%dma_wait3A_378 : memref<32x1024xf32, #tpu.memory_space<hbm>>)
    %dma_wait3A_379 = arith.constant 0 : i32
    %dma_wait3A_380 = tpu.memref_slice %arg4[%add3A_330, %dma_wait3A_379] : memref<16384x1024xf32, #tpu.memory_space<hbm>> -> memref<32x1024xf32, #tpu.memory_space<hbm>>
    %dma_wait3A_381 = arith.constant 0 : i32
    %dma_wait3A_382 = tpu.memref_slice %arg4[%add3A_330, %dma_wait3A_381] : memref<16384x1024xf32, #tpu.memory_space<hbm>> -> memref<32x1024xf32, #tpu.memory_space<hbm>>
    tpu.wait_dma2 semaphore(%arg14 : memref<!tpu.dma_semaphore, #tpu.memory_space<semaphore_mem>>) src(%arg7 : memref<32x1024xf32, #tpu.memory_space<vmem>>) dst(%dma_wait3A_382 : memref<32x1024xf32, #tpu.memory_space<hbm>>)
    %dma_wait3A_383 = arith.constant 0 : i32
    %dma_wait3A_384 = arith.constant 0 : i32
    %dma_wait3A_385 = arith.constant 0 : i32
    %dma_wait3A_386 = tpu.memref_slice %arg5[%dma_wait3A_384, %dma_wait3A_385] : memref<4x128xi32, #tpu.memory_space<vmem>> -> memref<1x128xi32, #tpu.memory_space<vmem>>
    %dma_wait3A_387 = tpu.memref_squeeze %dma_wait3A_386 : memref<1x128xi32, #tpu.memory_space<vmem>> -> memref<128xi32, #tpu.memory_space<vmem>>
    %dma_wait3A_388 = tpu.memref_slice %arg3[%dma_wait3A_383, %mul3A_2] : memref<4x4096xi32, #tpu.memory_space<hbm>> -> memref<1x128xi32, #tpu.memory_space<hbm>>
    %dma_wait3A_389 = tpu.memref_squeeze %dma_wait3A_388 : memref<1x128xi32, #tpu.memory_space<hbm>> -> memref<128xi32, #tpu.memory_space<hbm>>
    %dma_wait3A_390 = arith.constant 0 : i32
    %dma_wait3A_391 = tpu.memref_slice %arg5[%dma_wait3A_384, %dma_wait3A_390] : memref<4x128xi32, #tpu.memory_space<vmem>> -> memref<1x128xi32, #tpu.memory_space<vmem>>
    %dma_wait3A_392 = tpu.memref_squeeze %dma_wait3A_391 : memref<1x128xi32, #tpu.memory_space<vmem>> -> memref<128xi32, #tpu.memory_space<vmem>>
    %dma_wait3A_393 = tpu.memref_slice %arg3[%dma_wait3A_383, %mul3A_2] : memref<4x4096xi32, #tpu.memory_space<hbm>> -> memref<1x128xi32, #tpu.memory_space<hbm>>
    %dma_wait3A_394 = tpu.memref_squeeze %dma_wait3A_393 : memref<1x128xi32, #tpu.memory_space<hbm>> -> memref<128xi32, #tpu.memory_space<hbm>>
    tpu.wait_dma2 semaphore(%arg17 : memref<!tpu.dma_semaphore, #tpu.memory_space<semaphore_mem>>) src(%dma_wait3A_394 : memref<128xi32, #tpu.memory_space<hbm>>) dst(%dma_wait3A_392 : memref<128xi32, #tpu.memory_space<vmem>>)
    %dma_wait3A_395 = arith.constant 1 : i32
    %dma_wait3A_396 = arith.constant 1 : i32
    %dma_wait3A_397 = arith.constant 0 : i32
    %dma_wait3A_398 = tpu.memref_slice %arg5[%dma_wait3A_396, %dma_wait3A_397] : memref<4x128xi32, #tpu.memory_space<vmem>> -> memref<1x128xi32, #tpu.memory_space<vmem>>
    %dma_wait3A_399 = tpu.memref_squeeze %dma_wait3A_398 : memref<1x128xi32, #tpu.memory_space<vmem>> -> memref<128xi32, #tpu.memory_space<vmem>>
    %dma_wait3A_400 = tpu.memref_slice %arg3[%dma_wait3A_395, %mul3A_2] : memref<4x4096xi32, #tpu.memory_space<hbm>> -> memref<1x128xi32, #tpu.memory_space<hbm>>
    %dma_wait3A_401 = tpu.memref_squeeze %dma_wait3A_400 : memref<1x128xi32, #tpu.memory_space<hbm>> -> memref<128xi32, #tpu.memory_space<hbm>>
    %dma_wait3A_402 = arith.constant 0 : i32
    %dma_wait3A_403 = tpu.memref_slice %arg5[%dma_wait3A_396, %dma_wait3A_402] : memref<4x128xi32, #tpu.memory_space<vmem>> -> memref<1x128xi32, #tpu.memory_space<vmem>>
    %dma_wait3A_404 = tpu.memref_squeeze %dma_wait3A_403 : memref<1x128xi32, #tpu.memory_space<vmem>> -> memref<128xi32, #tpu.memory_space<vmem>>
    %dma_wait3A_405 = tpu.memref_slice %arg3[%dma_wait3A_395, %mul3A_2] : memref<4x4096xi32, #tpu.memory_space<hbm>> -> memref<1x128xi32, #tpu.memory_space<hbm>>
    %dma_wait3A_406 = tpu.memref_squeeze %dma_wait3A_405 : memref<1x128xi32, #tpu.memory_space<hbm>> -> memref<128xi32, #tpu.memory_space<hbm>>
    tpu.wait_dma2 semaphore(%arg17 : memref<!tpu.dma_semaphore, #tpu.memory_space<semaphore_mem>>) src(%dma_wait3A_406 : memref<128xi32, #tpu.memory_space<hbm>>) dst(%dma_wait3A_404 : memref<128xi32, #tpu.memory_space<vmem>>)
    %dma_wait3A_407 = arith.constant 2 : i32
    %dma_wait3A_408 = arith.constant 2 : i32
    %dma_wait3A_409 = arith.constant 0 : i32
    %dma_wait3A_410 = tpu.memref_slice %arg5[%dma_wait3A_408, %dma_wait3A_409] : memref<4x128xi32, #tpu.memory_space<vmem>> -> memref<1x128xi32, #tpu.memory_space<vmem>>
    %dma_wait3A_411 = tpu.memref_squeeze %dma_wait3A_410 : memref<1x128xi32, #tpu.memory_space<vmem>> -> memref<128xi32, #tpu.memory_space<vmem>>
    %dma_wait3A_412 = tpu.memref_slice %arg3[%dma_wait3A_407, %mul3A_2] : memref<4x4096xi32, #tpu.memory_space<hbm>> -> memref<1x128xi32, #tpu.memory_space<hbm>>
    %dma_wait3A_413 = tpu.memref_squeeze %dma_wait3A_412 : memref<1x128xi32, #tpu.memory_space<hbm>> -> memref<128xi32, #tpu.memory_space<hbm>>
    %dma_wait3A_414 = arith.constant 0 : i32
    %dma_wait3A_415 = tpu.memref_slice %arg5[%dma_wait3A_408, %dma_wait3A_414] : memref<4x128xi32, #tpu.memory_space<vmem>> -> memref<1x128xi32, #tpu.memory_space<vmem>>
    %dma_wait3A_416 = tpu.memref_squeeze %dma_wait3A_415 : memref<1x128xi32, #tpu.memory_space<vmem>> -> memref<128xi32, #tpu.memory_space<vmem>>
    %dma_wait3A_417 = tpu.memref_slice %arg3[%dma_wait3A_407, %mul3A_2] : memref<4x4096xi32, #tpu.memory_space<hbm>> -> memref<1x128xi32, #tpu.memory_space<hbm>>
    %dma_wait3A_418 = tpu.memref_squeeze %dma_wait3A_417 : memref<1x128xi32, #tpu.memory_space<hbm>> -> memref<128xi32, #tpu.memory_space<hbm>>
    tpu.wait_dma2 semaphore(%arg17 : memref<!tpu.dma_semaphore, #tpu.memory_space<semaphore_mem>>) src(%dma_wait3A_418 : memref<128xi32, #tpu.memory_space<hbm>>) dst(%dma_wait3A_416 : memref<128xi32, #tpu.memory_space<vmem>>)
    %dma_wait3A_419 = arith.constant 3 : i32
    %dma_wait3A_420 = arith.constant 3 : i32
    %dma_wait3A_421 = arith.constant 0 : i32
    %dma_wait3A_422 = tpu.memref_slice %arg5[%dma_wait3A_420, %dma_wait3A_421] : memref<4x128xi32, #tpu.memory_space<vmem>> -> memref<1x128xi32, #tpu.memory_space<vmem>>
    %dma_wait3A_423 = tpu.memref_squeeze %dma_wait3A_422 : memref<1x128xi32, #tpu.memory_space<vmem>> -> memref<128xi32, #tpu.memory_space<vmem>>
    %dma_wait3A_424 = tpu.memref_slice %arg3[%dma_wait3A_419, %mul3A_2] : memref<4x4096xi32, #tpu.memory_space<hbm>> -> memref<1x128xi32, #tpu.memory_space<hbm>>
    %dma_wait3A_425 = tpu.memref_squeeze %dma_wait3A_424 : memref<1x128xi32, #tpu.memory_space<hbm>> -> memref<128xi32, #tpu.memory_space<hbm>>
    %dma_wait3A_426 = arith.constant 0 : i32
    %dma_wait3A_427 = tpu.memref_slice %arg5[%dma_wait3A_420, %dma_wait3A_426] : memref<4x128xi32, #tpu.memory_space<vmem>> -> memref<1x128xi32, #tpu.memory_space<vmem>>
    %dma_wait3A_428 = tpu.memref_squeeze %dma_wait3A_427 : memref<1x128xi32, #tpu.memory_space<vmem>> -> memref<128xi32, #tpu.memory_space<vmem>>
    %dma_wait3A_429 = tpu.memref_slice %arg3[%dma_wait3A_419, %mul3A_2] : memref<4x4096xi32, #tpu.memory_space<hbm>> -> memref<1x128xi32, #tpu.memory_space<hbm>>
    %dma_wait3A_430 = tpu.memref_squeeze %dma_wait3A_429 : memref<1x128xi32, #tpu.memory_space<hbm>> -> memref<128xi32, #tpu.memory_space<hbm>>
    tpu.wait_dma2 semaphore(%arg17 : memref<!tpu.dma_semaphore, #tpu.memory_space<semaphore_mem>>) src(%dma_wait3A_430 : memref<128xi32, #tpu.memory_space<hbm>>) dst(%dma_wait3A_428 : memref<128xi32, #tpu.memory_space<vmem>>)
    %scan3A = arith.constant 0 : i32
    %scan3A_431 = arith.constant 0 : i32
    %scan3A_432 = arith.constant 16 : i32
    %scan3A_433 = arith.addi %scan3A_431, %scan3A_432 : i32
    %scan3A_434 = arith.constant 1 : i32
    scf.for %scan3A_436 = %scan3A_431 to %scan3A_433 step %scan3A_434  : i32 {
      %jit3A = arith.constant 4 : i32
      %div3A = arith.divsi %scan3A_436, %jit3A : i32
      %sign3A = arith.constant 0 : i32
      %sign3A_437 = arith.cmpi sgt, %scan3A_436, %sign3A : i32
      %sign3A_438 = arith.extui %sign3A_437 : i1 to i32
      %sign3A_439 = arith.constant 0 : i32
      %sign3A_440 = arith.cmpi slt, %scan3A_436, %sign3A_439 : i32
      %sign3A_441 = arith.extui %sign3A_440 : i1 to i32
      %sign3A_442 = arith.subi %sign3A_438, %sign3A_441 : i32
      %sign3A_443 = arith.constant 0 : i32
      %sign3A_444 = arith.cmpi sgt, %jit3A, %sign3A_443 : i32
      %sign3A_445 = arith.extui %sign3A_444 : i1 to i32
      %sign3A_446 = arith.constant 0 : i32
      %sign3A_447 = arith.cmpi slt, %jit3A, %sign3A_446 : i32
      %sign3A_448 = arith.extui %sign3A_447 : i1 to i32
      %sign3A_449 = arith.subi %sign3A_445, %sign3A_448 : i32
      %ne3A = arith.cmpi ne, %sign3A_442, %sign3A_449 : i32
      %rem3A = arith.remsi %scan3A_436, %jit3A : i32
      %ne3A_450 = arith.constant 0 : i32
      %ne3A_451 = arith.cmpi ne, %rem3A, %ne3A_450 : i32
      %and3A = arith.andi %ne3A, %ne3A_451 : i1
      %sub3A = arith.constant 1 : i32
      %sub3A_452 = arith.subi %div3A, %sub3A : i32
      %select_n3A = arith.select %and3A, %sub3A_452, %div3A : i32
      %jit3A_453 = arith.constant 4 : i32
      %eq3A = arith.constant 0 : i32
      %eq3A_454 = arith.cmpi eq, %jit3A_453, %eq3A : i32
      %jit3A_455 = arith.constant 1 : i32
      %select_n3A_456 = arith.select %eq3A_454, %jit3A_455, %jit3A_453 : i32
      %rem3A_457 = arith.remsi %scan3A_436, %select_n3A_456 : i32
      %ne3A_458 = arith.constant 0 : i32
      %ne3A_459 = arith.cmpi ne, %rem3A_457, %ne3A_458 : i32
      %lt3A = arith.constant 0 : i32
      %lt3A_460 = arith.cmpi slt, %rem3A_457, %lt3A : i32
      %lt3A_461 = arith.constant 0 : i32
      %lt3A_462 = arith.cmpi slt, %select_n3A_456, %lt3A_461 : i32
      %ne3A_463 = arith.xori %lt3A_460, %lt3A_462 : i1
      %and3A_464 = arith.andi %ne3A_463, %ne3A_459 : i1
      %add3A_465 = arith.addi %rem3A_457, %select_n3A_456 : i32
      %select_n3A_466 = arith.select %and3A_464, %add3A_465, %rem3A_457 : i32
      %mul3A_467 = arith.constant 32 : i32
      %mul3A_468 = arith.muli %select_n3A, %mul3A_467 : i32
      %get3A = arith.index_cast %select_n3A_466 : i32 to index
      %get3A_469 = arith.index_cast %mul3A_468 : i32 to index
      %get3A_470 = tpu.vector_load %arg5[%get3A, %get3A_469] {strides = array<i32>} : memref<4x128xi32, #tpu.memory_space<vmem>>, vector<1x16xi32>,
      %get3A_471 = vector.shape_cast %get3A_470 : vector<1x16xi32> to vector<16xi32>
      %mul3A_472 = arith.constant 32 : i32
      %mul3A_473 = arith.muli %select_n3A, %mul3A_472 : i32
      %add3A_474 = arith.constant 16 : i32
      %add3A_475 = arith.addi %mul3A_473, %add3A_474 : i32
      %get3A_476 = arith.index_cast %select_n3A_466 : i32 to index
      %get3A_477 = arith.index_cast %add3A_475 : i32 to index
      %get3A_478 = tpu.vector_load %arg5[%get3A_476, %get3A_477] {strides = array<i32>} : memref<4x128xi32, #tpu.memory_space<vmem>>, vector<1x16xi32>,
      %get3A_479 = vector.shape_cast %get3A_478 : vector<1x16xi32> to vector<16xi32>
      %min3A = arith.minsi %get3A_471, %get3A_479 : vector<16xi32>
      %slice3A = vector.extract_strided_slice %min3A {offsets = [0], sizes = [1], strides = [1]} : vector<16xi32> to vector<1xi32>
      %squeeze3A = vector.extract %slice3A[0] : i32 from vector<1xi32>
      %eq3A_480 = arith.constant 0 : i32
      %eq3A_481 = arith.cmpi eq, %squeeze3A, %eq3A_480 : i32
      %slice3A_482 = vector.extract_strided_slice %min3A {offsets = [1], sizes = [1], strides = [1]} : vector<16xi32> to vector<1xi32>
      %squeeze3A_483 = vector.extract %slice3A_482[0] : i32 from vector<1xi32>
      %eq3A_484 = arith.constant 0 : i32
      %eq3A_485 = arith.cmpi eq, %squeeze3A_483, %eq3A_484 : i32
      %or3A = arith.ori %eq3A_481, %eq3A_485 : i1
      %slice3A_486 = vector.extract_strided_slice %min3A {offsets = [2], sizes = [1], strides = [1]} : vector<16xi32> to vector<1xi32>
      %squeeze3A_487 = vector.extract %slice3A_486[0] : i32 from vector<1xi32>
      %eq3A_488 = arith.constant 0 : i32
      %eq3A_489 = arith.cmpi eq, %squeeze3A_487, %eq3A_488 : i32
      %or3A_490 = arith.ori %or3A, %eq3A_489 : i1
      %slice3A_491 = vector.extract_strided_slice %min3A {offsets = [3], sizes = [1], strides = [1]} : vector<16xi32> to vector<1xi32>
      %squeeze3A_492 = vector.extract %slice3A_491[0] : i32 from vector<1xi32>
      %eq3A_493 = arith.constant 0 : i32
      %eq3A_494 = arith.cmpi eq, %squeeze3A_492, %eq3A_493 : i32
      %or3A_495 = arith.ori %or3A_490, %eq3A_494 : i1
      %slice3A_496 = vector.extract_strided_slice %min3A {offsets = [4], sizes = [1], strides = [1]} : vector<16xi32> to vector<1xi32>
      %squeeze3A_497 = vector.extract %slice3A_496[0] : i32 from vector<1xi32>
      %eq3A_498 = arith.constant 0 : i32
      %eq3A_499 = arith.cmpi eq, %squeeze3A_497, %eq3A_498 : i32
      %or3A_500 = arith.ori %or3A_495, %eq3A_499 : i1
      %slice3A_501 = vector.extract_strided_slice %min3A {offsets = [5], sizes = [1], strides = [1]} : vector<16xi32> to vector<1xi32>
      %squeeze3A_502 = vector.extract %slice3A_501[0] : i32 from vector<1xi32>
      %eq3A_503 = arith.constant 0 : i32
      %eq3A_504 = arith.cmpi eq, %squeeze3A_502, %eq3A_503 : i32
      %or3A_505 = arith.ori %or3A_500, %eq3A_504 : i1
      %slice3A_506 = vector.extract_strided_slice %min3A {offsets = [6], sizes = [1], strides = [1]} : vector<16xi32> to vector<1xi32>
      %squeeze3A_507 = vector.extract %slice3A_506[0] : i32 from vector<1xi32>
      %eq3A_508 = arith.constant 0 : i32
      %eq3A_509 = arith.cmpi eq, %squeeze3A_507, %eq3A_508 : i32
      %or3A_510 = arith.ori %or3A_505, %eq3A_509 : i1
      %slice3A_511 = vector.extract_strided_slice %min3A {offsets = [7], sizes = [1], strides = [1]} : vector<16xi32> to vector<1xi32>
      %squeeze3A_512 = vector.extract %slice3A_511[0] : i32 from vector<1xi32>
      %eq3A_513 = arith.constant 0 : i32
      %eq3A_514 = arith.cmpi eq, %squeeze3A_512, %eq3A_513 : i32
      %or3A_515 = arith.ori %or3A_510, %eq3A_514 : i1
      %slice3A_516 = vector.extract_strided_slice %min3A {offsets = [8], sizes = [1], strides = [1]} : vector<16xi32> to vector<1xi32>
      %squeeze3A_517 = vector.extract %slice3A_516[0] : i32 from vector<1xi32>
      %eq3A_518 = arith.constant 0 : i32
      %eq3A_519 = arith.cmpi eq, %squeeze3A_517, %eq3A_518 : i32
      %or3A_520 = arith.ori %or3A_515, %eq3A_519 : i1
      %slice3A_521 = vector.extract_strided_slice %min3A {offsets = [9], sizes = [1], strides = [1]} : vector<16xi32> to vector<1xi32>
      %squeeze3A_522 = vector.extract %slice3A_521[0] : i32 from vector<1xi32>
      %eq3A_523 = arith.constant 0 : i32
      %eq3A_524 = arith.cmpi eq, %squeeze3A_522, %eq3A_523 : i32
      %or3A_525 = arith.ori %or3A_520, %eq3A_524 : i1
      %slice3A_526 = vector.extract_strided_slice %min3A {offsets = [10], sizes = [1], strides = [1]} : vector<16xi32> to vector<1xi32>
      %squeeze3A_527 = vector.extract %slice3A_526[0] : i32 from vector<1xi32>
      %eq3A_528 = arith.constant 0 : i32
      %eq3A_529 = arith.cmpi eq, %squeeze3A_527, %eq3A_528 : i32
      %or3A_530 = arith.ori %or3A_525, %eq3A_529 : i1
      %slice3A_531 = vector.extract_strided_slice %min3A {offsets = [11], sizes = [1], strides = [1]} : vector<16xi32> to vector<1xi32>
      %squeeze3A_532 = vector.extract %slice3A_531[0] : i32 from vector<1xi32>
      %eq3A_533 = arith.constant 0 : i32
      %eq3A_534 = arith.cmpi eq, %squeeze3A_532, %eq3A_533 : i32
      %or3A_535 = arith.ori %or3A_530, %eq3A_534 : i1
      %slice3A_536 = vector.extract_strided_slice %min3A {offsets = [12], sizes = [1], strides = [1]} : vector<16xi32> to vector<1xi32>
      %squeeze3A_537 = vector.extract %slice3A_536[0] : i32 from vector<1xi32>
      %eq3A_538 = arith.constant 0 : i32
      %eq3A_539 = arith.cmpi eq, %squeeze3A_537, %eq3A_538 : i32
      %or3A_540 = arith.ori %or3A_535, %eq3A_539 : i1
      %slice3A_541 = vector.extract_strided_slice %min3A {offsets = [13], sizes = [1], strides = [1]} : vector<16xi32> to vector<1xi32>
      %squeeze3A_542 = vector.extract %slice3A_541[0] : i32 from vector<1xi32>
      %eq3A_543 = arith.constant 0 : i32
      %eq3A_544 = arith.cmpi eq, %squeeze3A_542, %eq3A_543 : i32
      %or3A_545 = arith.ori %or3A_540, %eq3A_544 : i1
      %slice3A_546 = vector.extract_strided_slice %min3A {offsets = [14], sizes = [1], strides = [1]} : vector<16xi32> to vector<1xi32>
      %squeeze3A_547 = vector.extract %slice3A_546[0] : i32 from vector<1xi32>
      %eq3A_548 = arith.constant 0 : i32
      %eq3A_549 = arith.cmpi eq, %squeeze3A_547, %eq3A_548 : i32
      %or3A_550 = arith.ori %or3A_545, %eq3A_549 : i1
      %slice3A_551 = vector.extract_strided_slice %min3A {offsets = [15], sizes = [1], strides = [1]} : vector<16xi32> to vector<1xi32>
      %squeeze3A_552 = vector.extract %slice3A_551[0] : i32 from vector<1xi32>
      %eq3A_553 = arith.constant 0 : i32
      %eq3A_554 = arith.cmpi eq, %squeeze3A_552, %eq3A_553 : i32
      %or3A_555 = arith.ori %or3A_550, %eq3A_554 : i1
      %convert_element_type3A = arith.extui %or3A_555 : i1 to i32
      %cond3A = arith.constant 0 : i32
      %cond3A_556 = arith.cmpi ne, %convert_element_type3A, %cond3A : i32
      scf.if %cond3A_556 {
        %mul3A_557 = arith.constant 32 : i32
        %mul3A_558 = arith.muli %select_n3A, %mul3A_557 : i32
        %add3A_559 = arith.constant 0 : i32
        %add3A_560 = arith.addi %mul3A_558, %add3A_559 : i32
        %get3A_561 = arith.index_cast %select_n3A_466 : i32 to index
        %get3A_562 = arith.index_cast %add3A_560 : i32 to index
        %get3A_563 = tpu.vector_load %arg5[%get3A_561, %get3A_562] {strides = array<i32>} : memref<4x128xi32, #tpu.memory_space<vmem>>, vector<1x16xi32>,
        %get3A_564 = vector.shape_cast %get3A_563 : vector<1x16xi32> to vector<16xi32>
        %mul3A_565 = arith.constant 32 : i32
        %mul3A_566 = arith.muli %select_n3A, %mul3A_565 : i32
        %add3A_567 = arith.constant 0 : i32
        %add3A_568 = arith.addi %mul3A_566, %add3A_567 : i32
        %add3A_569 = arith.constant 1 : i32
        %add3A_570 = arith.addi %add3A_568, %add3A_569 : i32
        %add3A_571 = arith.addi %mul3A_2, %add3A_570 : i32
        %iota3A_572 = tpu.iota {dimensions = array<i32: 0>} : vector<16xi32>
        %add3A_573 = vector.broadcast %add3A_571 : i32 to vector<16xi32>
        %add3A_574 = arith.addi %add3A_573, %iota3A_572 : vector<16xi32>
        %eq3A_575 = arith.constant 0 : i32
        %eq3A_576 = vector.broadcast %eq3A_575 : i32 to vector<16xi32>
        %eq3A_577 = arith.cmpi eq, %get3A_564, %eq3A_576 : vector<16xi32>
        %jit3A_578 = arith.constant 0 : i32
        %broadcast_in_dim3A = vector.broadcast %jit3A_578 : i32 to vector<16xi32>
        %select_n3A_579 = arith.select %eq3A_577, %broadcast_in_dim3A, %add3A_574 : vector<16xi1>, vector<16xi32>
        %swap3A_580 = arith.constant 0 : index
        %swap3A_581 = tpu.vector_load %arg10[%swap3A_580] {strides = array<i32>} : memref<32xi32, #tpu.memory_space<vmem>>, vector<16xi32>,
        %swap3A_582 = vector.shape_cast %swap3A_581 : vector<16xi32> to vector<16xi32>
        %swap3A_583 = vector.shape_cast %select_n3A_579 : vector<16xi32> to vector<16xi32>
        tpu.vector_store %arg10[%swap3A_580], %swap3A_583 {strides = array<i32>} : memref<32xi32, #tpu.memory_space<vmem>>, vector<16xi32>,
        %mul3A_584 = arith.constant 32 : i32
        %mul3A_585 = arith.muli %select_n3A, %mul3A_584 : i32
        %add3A_586 = arith.constant 16 : i32
        %add3A_587 = arith.addi %mul3A_585, %add3A_586 : i32
        %get3A_588 = arith.index_cast %select_n3A_466 : i32 to index
        %get3A_589 = arith.index_cast %add3A_587 : i32 to index
        %get3A_590 = tpu.vector_load %arg5[%get3A_588, %get3A_589] {strides = array<i32>} : memref<4x128xi32, #tpu.memory_space<vmem>>, vector<1x16xi32>,
        %get3A_591 = vector.shape_cast %get3A_590 : vector<1x16xi32> to vector<16xi32>
        %mul3A_592 = arith.constant 32 : i32
        %mul3A_593 = arith.muli %select_n3A, %mul3A_592 : i32
        %add3A_594 = arith.constant 16 : i32
        %add3A_595 = arith.addi %mul3A_593, %add3A_594 : i32
        %add3A_596 = arith.constant 1 : i32
        %add3A_597 = arith.addi %add3A_595, %add3A_596 : i32
        %add3A_598 = arith.addi %mul3A_2, %add3A_597 : i32
        %iota3A_599 = tpu.iota {dimensions = array<i32: 0>} : vector<16xi32>
        %add3A_600 = vector.broadcast %add3A_598 : i32 to vector<16xi32>
        %add3A_601 = arith.addi %add3A_600, %iota3A_599 : vector<16xi32>
        %eq3A_602 = arith.constant 0 : i32
        %eq3A_603 = vector.broadcast %eq3A_602 : i32 to vector<16xi32>
        %eq3A_604 = arith.cmpi eq, %get3A_591, %eq3A_603 : vector<16xi32>
        %jit3A_605 = arith.constant 0 : i32
        %broadcast_in_dim3A_606 = vector.broadcast %jit3A_605 : i32 to vector<16xi32>
        %select_n3A_607 = arith.select %eq3A_604, %broadcast_in_dim3A_606, %add3A_601 : vector<16xi1>, vector<16xi32>
        %swap3A_608 = arith.constant 16 : index
        %swap3A_609 = tpu.vector_load %arg10[%swap3A_608] {strides = array<i32>} : memref<32xi32, #tpu.memory_space<vmem>>, vector<16xi32>,
        %swap3A_610 = vector.shape_cast %swap3A_609 : vector<16xi32> to vector<16xi32>
        %swap3A_611 = vector.shape_cast %select_n3A_607 : vector<16xi32> to vector<16xi32>
        tpu.vector_store %arg10[%swap3A_608], %swap3A_611 {strides = array<i32>} : memref<32xi32, #tpu.memory_space<vmem>>, vector<16xi32>,
        %dma_start3A_612 = arith.constant 0 : i32
        %dma_start3A_613 = arith.constant 0 : i32
        %dma_start3A_614 = tpu.memref_slice %arg2[%dma_start3A_612, %dma_start3A_613] : memref<4097x1024xf32, #tpu.memory_space<hbm>> -> memref<4097x1024xf32, #tpu.memory_space<hbm>>
        tpu.enqueue_indirect_dma source(%dma_start3A_614 : memref<4097x1024xf32, #tpu.memory_space<hbm>>) target(%arg7 : memref<32x1024xf32, #tpu.memory_space<vmem>>) offsets(%arg10 : memref<32xi32, #tpu.memory_space<vmem>>) semaphore(%arg11 : memref<!tpu.dma_semaphore, #tpu.memory_space<semaphore_mem>>)
        %dma_wait3A_615 = arith.constant 0 : i32
        %dma_wait3A_616 = arith.constant 0 : i32
        %dma_wait3A_617 = tpu.memref_slice %arg2[%dma_wait3A_615, %dma_wait3A_616] : memref<4097x1024xf32, #tpu.memory_space<hbm>> -> memref<4097x1024xf32, #tpu.memory_space<hbm>>
        tpu.wait_indirect_dma semaphore(%arg11 : memref<!tpu.dma_semaphore, #tpu.memory_space<semaphore_mem>>) src(%dma_wait3A_617 : memref<4097x1024xf32, #tpu.memory_space<hbm>>) dst(%arg7 : memref<32x1024xf32, #tpu.memory_space<vmem>>)
        %mul3A_618 = arith.constant 4096 : i32
        %mul3A_619 = arith.muli %select_n3A_466, %mul3A_618 : i32
        %add3A_620 = arith.addi %mul3A_619, %mul3A_2 : i32
        %mul3A_621 = arith.constant 32 : i32
        %mul3A_622 = arith.muli %select_n3A, %mul3A_621 : i32
        %add3A_623 = arith.addi %add3A_620, %mul3A_622 : i32
        %dma_start3A_624 = arith.constant 0 : i32
        %dma_start3A_625 = tpu.memref_slice %arg4[%add3A_623, %dma_start3A_624] : memref<16384x1024xf32, #tpu.memory_space<hbm>> -> memref<32x1024xf32, #tpu.memory_space<hbm>>
        %dma_start3A_626 = arith.constant 0 : i32
        %dma_start3A_627 = tpu.memref_slice %arg4[%add3A_623, %dma_start3A_626] : memref<16384x1024xf32, #tpu.memory_space<hbm>> -> memref<32x1024xf32, #tpu.memory_space<hbm>>
        tpu.enqueue_dma source(%arg7 : memref<32x1024xf32, #tpu.memory_space<vmem>>) target(%dma_start3A_627 : memref<32x1024xf32, #tpu.memory_space<hbm>>) target_semaphore(%arg14 : memref<!tpu.dma_semaphore, #tpu.memory_space<semaphore_mem>>)
        %dma_wait3A_628 = arith.constant 0 : i32
        %dma_wait3A_629 = tpu.memref_slice %arg4[%add3A_623, %dma_wait3A_628] : memref<16384x1024xf32, #tpu.memory_space<hbm>> -> memref<32x1024xf32, #tpu.memory_space<hbm>>
        %dma_wait3A_630 = arith.constant 0 : i32
        %dma_wait3A_631 = tpu.memref_slice %arg4[%add3A_623, %dma_wait3A_630] : memref<16384x1024xf32, #tpu.memory_space<hbm>> -> memref<32x1024xf32, #tpu.memory_space<hbm>>
        tpu.wait_dma2 semaphore(%arg14 : memref<!tpu.dma_semaphore, #tpu.memory_space<semaphore_mem>>) src(%arg7 : memref<32x1024xf32, #tpu.memory_space<vmem>>) dst(%dma_wait3A_631 : memref<32x1024xf32, #tpu.memory_space<hbm>>)
      } else {
      }
    }
    %scan3A_435 = arith.constant 16 : i32
    return
  }
}

</mosaic_0001>

<sc_bundles>
// kernel: kernel.3.cloned.1.call-start
scs
__scs_entry_jumppad:
0x0: {  	(pc) =	sbr.rel $0x88, $3  }
0x1: {  	(tag) =	ssettag $0x0;
	lr =	simm.s32 $0x1  }
0x2: {  	[smem:$0x3F9F] =	sst lr;
	_ =	strace $0xD0000000  }
0x3: {  	_ = 	snop  }
0x4: {  	_ = 	snop  }
0x5: {  	_ = 	snop  }
0x6: {  	_ = 	snop  }
0x7: {  	_ = 	snop  }
__scs_overlays_trampoline_lowered:
0x8: {  	[smem:$0x3FAE] =	sst s0  }
0x9: {  	[smem:$0x3FAF] =	sst s1  }
0xa: {  	[smem:$0x3FB0] =	sst s2  }
0xb: {  	[smem:$0x3FB1] =	sst s3  }
0xc: {  	[smem:$0x3FB2] =	sst s4  }
0xd: {  	[smem:$0x3FB3] =	sst s5  }
0xe: {  	[smem:$0x3FB4] =	sst s6  }
0xf: {  	[smem:$0x3FB5] =	sst s7  }
0x10: {  	[smem:$0x3FB6] =	sst s8  }
0x11: {  	[smem:$0x3FB7] =	sst s9;
	s0 =	simm.s32 @!p0 $0x0  }
0x12: {  	s1 =	sld [smem:$0x3F9D];
	s0 =	simm.s32 @p0 $0x1  }
0x13: {  	[smem:$0x3FB8] =	sst s0;
	s0 =	simm.s32 @!p1 $0x0  }
0x14: {  	s2 =	sld [smem:$0x3F9C];
	s0 =	simm.s32 @p1 $0x1  }
0x15: {  	[smem:$0x3FB9] =	sst s0;
	s0 =	simm.s32 @!p2 $0x0  }
0x16: {  	s3 =	sld [smem:$0x3FDB];
	s0 =	simm.s32 @p2 $0x1  }
0x17: {  	s4 =	simm.s32 $0x1BF5;
	[smem:$0x3FBB] =	sst s0  }
0x18: {  	s0 =	sld [smem:$0x3F9E];
	_ =	swait.ge [sflag:s4], $0x0  }
0x19: {  	s7 =	sld [smem:$0x3F9F]  }
0x1a: {  	s8 =	sadd.s32 $0xFFFFE003, lr  }
0x1b: {  	s9 =	sadd.s32 $0xFFFFFEF7, lr;
	s5 =	simm.s32 $0xFFFFFFFF;
	p2 =	slt.u32 s8, $0xFFFFF086  }
0x1c: {  	p1 =	slt.u32 s9, $0xF7A;
	s5 =	simm.s32 @!p2 $0x0  }
0x1d: {  	s5 =	simm.s32 @p1 $0x1;
	p0 =	seq.s32 s7, s2  }
0x1e: {  	s7 =	smul.u32 @!p0 $0xF7A, s2;
	p2 =	seq.s32 @!p0 s5, $0x0  }
0x1f: {  	s9 =	smul.u32 $0xF7A, s1;
	s8 =	simm.s32 @!p0 $0x1BF5;
	p2 =	por !p2, p0  }
0x20: {  	[sflag:s8] =	ssyncset.s32 @!p0 $0xFFFFF086;
	s6 =	sadd.s32 @!p0 s3, s7;
	s7 =	simm.s32 @!p0 $0x108  }
0x21: {  	s3 =	sadd.s32 s3, s9;
	s6 =	sadd.s32 @!p0 $0x88, s6;
	s7 =	simm.s32 @p2 $0x1082  }
0x22: {  	[simem:s7], [sflag:s8] =	dma.local @!p0 [hbm:s6], $0xF7A  }
0x23: {  	s9 =	sor.u32 $0xD0000000, s2;
	s6 =	simm.s32 $0x108;
	_ =	swait.ge @!p0 [sflag:s8], $0x0  }
0x24: {  	s3 =	sadd.s32 $0x88, s3;
	s6 =	simm.s32 @!p1 $0x1082;
	[sflag:s4] =	ssyncset.s32 $0xFFFFF086  }
0x25: {  	[simem:s6], [sflag:s4] =	dma.local [hbm:s3], $0xF7A  }
0x26: {  	[smem:$0x3F9F] =	sst s1;
	(tag) =	ssettag s2;
	_ =	strace s9  }
0x27: {  	s1 =	sld [smem:$0x3FAF]  }
0x28: {  	s2 =	sld [smem:$0x3FB0]  }
0x29: {  	s4 =	sld [smem:$0x3FB2]  }
0x2a: {  	p0 =	seq.s32 s5, $0x0;
	s5 =	sld [smem:$0x3FB3]  }
0x2b: {  	s6 =	sld [smem:$0x3FB4]  }
0x2c: {  	s7 =	sld [smem:$0x3FB5]  }
0x2d: {  	s3 =	simm.s32 $0x108;
	s8 =	sld [smem:$0x3FB6]  }
0x2e: {  	s3 =	simm.s32 @!p0 $0x1082;
	s9 =	sld [smem:$0x3FB7]  }
0x2f: {  	lr =	sadd.s32 s0, s3;
	s0 =	sld [smem:$0x3FAE]  }
0x30: {  	s3 =	sld [smem:$0x3FB1]  }
0x31: {  	[smem:$0x3FBA] =	sst s10  }
0x32: {  	s10 =	sld [smem:$0x3FB8];
	_ =	sdelay $0x3  }
0x33: {  	p0 =	seq.s32 s10, $0x1;
	s10 =	sld [smem:$0x3FBA];
	_ =	sdelay $0x3  }
0x34: {  	[smem:$0x3FBA] =	sst s10  }
0x35: {  	s10 =	sld [smem:$0x3FB9];
	_ =	sdelay $0x3  }
0x36: {  	p1 =	seq.s32 s10, $0x1;
	s10 =	sld [smem:$0x3FBA];
	_ =	sdelay $0x3  }
0x37: {  	[smem:$0x3FBA] =	sst s10  }
0x38: {  	s10 =	sld [smem:$0x3FBB]  }
0x39: {  	_ = 	snop;
	(pc) =	sbr.ind lr, $3  }
0x3a: {  	_ = 	snop  }
0x3b: {  	_ = 	snop  }
0x3c: {  	p2 =	seq.s32 s10, $0x1;
	s10 =	sld [smem:$0x3FBA]  }
0x3d: {  	_ =	shalt  }
0x3e: {  	_ =	shalt  }
0x3f: {  	_ =	shalt  }
0x40: {  	_ =	shalt  }
0x41: {  	_ =	shalt  }
0x42: {  	_ =	shalt  }
0x43: {  	_ =	shalt  }
0x44: {  	_ =	shalt  }
0x45: {  	_ =	shalt  }
0x46: {  	_ =	shalt  }
0x47: {  	_ =	shalt  }
0x48: {  	_ =	shalt  }
0x49: {  	_ =	shalt  }
0x4a: {  	_ =	shalt  }
0x4b: {  	_ =	shalt  }
0x4c: {  	_ =	shalt  }
0x4d: {  	_ =	shalt  }
0x4e: {  	_ =	shalt  }
0x4f: {  	_ =	shalt  }
0x50: {  	_ =	shalt  }
0x51: {  	_ =	shalt  }
0x52: {  	_ =	shalt  }
0x53: {  	_ =	shalt  }
0x54: {  	_ =	shalt  }
0x55: {  	_ =	shalt  }
0x56: {  	_ =	shalt  }
0x57: {  	_ =	shalt  }
0x58: {  	_ =	shalt  }
0x59: {  	_ =	shalt  }
0x5a: {  	_ =	shalt  }
0x5b: {  	_ =	shalt  }
0x5c: {  	_ =	shalt  }
0x5d: {  	_ =	shalt  }
0x5e: {  	_ =	shalt  }
0x5f: {  	_ =	shalt  }
0x60: {  	_ =	shalt  }
0x61: {  	_ =	shalt  }
0x62: {  	_ =	shalt  }
0x63: {  	_ =	shalt  }
0x64: {  	_ =	shalt  }
0x65: {  	_ =	shalt  }
0x66: {  	_ =	shalt  }
0x67: {  	_ =	shalt  }
0x68: {  	_ =	shalt  }
0x69: {  	_ =	shalt  }
0x6a: {  	_ =	shalt  }
0x6b: {  	_ =	shalt  }
0x6c: {  	_ =	shalt  }
0x6d: {  	_ =	shalt  }
0x6e: {  	_ =	shalt  }
0x6f: {  	_ =	shalt  }
0x70: {  	_ =	shalt  }
0x71: {  	_ =	shalt  }
0x72: {  	_ =	shalt  }
0x73: {  	_ =	shalt  }
0x74: {  	_ =	shalt  }
0x75: {  	_ =	shalt  }
0x76: {  	_ =	shalt  }
0x77: {  	_ =	shalt  }
0x78: {  	_ =	shalt  }
0x79: {  	_ =	shalt  }
0x7a: {  	_ =	shalt  }
0x7b: {  	_ =	shalt  }
0x7c: {  	_ =	shalt  }
0x7d: {  	_ =	shalt  }
0x7e: {  	_ =	shalt  }
0x7f: {  	_ =	shalt  }
0x80: {  	_ =	shalt  }
0x81: {  	_ =	shalt  }
0x82: {  	_ =	shalt  }
0x83: {  	_ =	shalt  }
0x84: {  	_ =	shalt  }
0x85: {  	_ =	shalt  }
0x86: {  	_ =	shalt  }
0x87: {  	_ =	shalt  }
.Lfunc_end0:
.L_simem_size_0:
called_computation_lowered:
.L_overlay_start_0:
0x88: {  	s2 =	sld [smem:$0x3FD9]  }
0x89: {  	s3 =	sld [smem:$0x3FFE];
	_ =	sdelay $0x1  }
0x8a: {  	s1 =	srdreg.scid  }
0x8b: {  	s0 =	sand.u32 $0x1, s1  }
0x8c: {  	s18 =	sshll.u32 s0, $0xA;
	s2 =	sadd.s32 s3, s2  }
0x8d: {  	s2 =	sadd.s32 s2, s18  }
0x8e: {  	[smem:$0x3FC6] =	sst s2  }
0x8f: {  	_ = 	snop  }
0x90: {  	s2 =	sld [smem:$0x3FC9]  }
0x91: {  	s19 =	sld [smem:$0x3FC8]  }
0x92: {  	s4 =	sld [smem:$0x3FD0];
	(tm) =	ssettm $0x1  }
0x93: {  	s5 =	sld [smem:$0x3FFB];
	_ =	sdelay $0x3  }
0x94: {  	_ =	strace s5  }
0x95: {  	s5 =	sld [smem:$0x3FFC];
	_ =	sdelay $0x3  }
0x96: {  	_ =	strace s5  }
0x97: {  	s5 =	sld [smem:$0x3FFD];
	_ =	sdelay $0x3  }
0x98: {  	_ =	strace s5  }
0x99: {  	_ =	strace $0x8FFFFFFF  }
0x9a: {  	s20 =	sld [smem:$0x3FDB];
	_ =	sdelay $0x1  }
0x9b: {  	s6 =	simm.s32 $_scs_section_size  }
0x9c: {  	s7 =	simm.s32 $_size__tile_overlayer_lowered;
	s8 =	simm.s32 $_tile_overlayer_lowered  }
0x9d: {  	s23 =	simm.s32 $0x1BFF;
	s22 =	sshll.u32 s8, $0x1;
	s5 =	sadd.s32 s6, s20  }
0x9e: {  	s9 =	simm.s32 $0x0;
	s21 =	sshll.u32 s7, $0x1;
	s7 =	sadd.s32 s22, s5  }
0x9f: {  	[timem:s9], [sflag:s23] =	dma.local [hbm:s7], s21  }
0xa0: {  	_ =	swait.ge [sflag:s23], s21  }
0xa1: {  	s6 =	ssub.s32 $0x0, s21;
	[sflag:s23] =	ssyncset.done $0x0  }
0xa2: {  	[sflag:s23] =	ssyncadd.s32 s6;
	_ =	sdelay $0x1  }
0xa3: {  	s24 =	simm.s32 $0x1B8B  }
0xa4: {  	_ =	swait.ge [sflag:s24], $0x1  }
0xa5: {  	[sflag:s24] =	ssyncset.done $0x0  }
0xa6: {  	s25 =	simm.s32 $0x1B8E;
	[sflag:s24] =	ssyncadd.s32 $0xFFFFFFFF  }
0xa7: {  	s26 =	simm.s32 $execute0_lowered;
	[smem:$0x3FD2] =	sst s25  }
0xa8: {  	s6 =	sshll.u32 s26, $0x1;
	_ =	strace $0x80000046;
	[dreg:$0x1] =	wrdreg $0xFFFFFFFF  }
0xa9: {  	s28 =	simm.s32 $_size_execute0_lowered;
	s5 =	sadd.s32 s5, s6;
	[dreg:$0x0] =	wrdreg $0x0  }
0xaa: {  	s6 =	sshll.u32 s28, $0x1;
	[dreg:$0x2] =	wrdreg s5  }
0xab: {  	[dreg:$0x3] =	wrdreg s6  }
0xac: {  	[dreg:$0x4] =	wrdreg $0xC0  }
0xad: {  	_ =	task [dreg:s9], $0x5FFFF  }
0xae: {  	[dreg:$0x1] =	wrdreg $0xFFFFFFFF  }
0xaf: {  	[dreg:$0x0] =	wrdreg $0x60  }
0xb0: {  	[dreg:$0x2] =	wrdreg s19  }
0xb1: {  	[dreg:$0x3] =	wrdreg s2  }
0xb2: {  	[dreg:$0x4] =	wrdreg s4  }
0xb3: {  	[dreg:$0x5] =	wrdreg $0x9  }
0xb4: {  	_ =	task.clear_ibuf [dreg:s9], $0x6FFFF;
	_ =	strace $0x90000046  }
0xb5: {  	s29 =	simm.s32 $0x9;
	_ =	strace $0x80000048  }
0xb6: {  	_ =	swait.ge [sflag:s29], $0x1  }
0xb7: {  	[sflag:s29] =	ssyncadd.s32 $0xFFFFFFFF  }
0xb8: {  	_ =	strace $0x90000048  }
0xb9: {  	_ =	sfence  }
0xba: {  	s30 =	sld [smem:$0x0];
	_ =	sdelay $0x2  }
0xbb: {  	s31 =	sshll.u32 s1, $0xD;
	s1 =	sshrl.u32 s1, $0x2  }
0xbc: {  	s3 =	sand.u32 $0x4000, s31;
	s1 =	sadd.s32 s1, s30  }
0xbd: {  	s0 =	sor.u32 s3, s0;
	s1 =	sshll.u32 s1, $0x11  }
0xbe: {  	s0 =	sor.u32 s1, s0  }
0xbf: {  	s0 =	sadd.s32 $0x8F2B, s0  }
0xc0: {  	[sflag:s0] =	ssyncadd.remote.s32 $0x1  }
0xc1: {  	_ =	sfence.sel $0xFFFF  }
0xc2: {  	[dreg:$0x0] =	wrdreg $0xFFFFFFFF;
	(pc) =	sbr.abs _section_cstart, $3  }
0xc3: {  	[dreg:$0x1] =	wrdreg $0xFFFFFFFF  }
0xc4: {  	_ =	task.clear_ibuf [dreg:s9], $0x2FFFF;
	_ =	strace $0x9FFFFFFF  }
0xc5: {  	(tm) =	ssettm $0x7FFFFFFF  }
tec
execute0_lowered:
.L_overlay_start_1:
0x0: {  	(tag) =	ssettag $0x1  }
0x1: {  	s1 =	rddreg [dreg:$0x0]  }
0x2: {  	s8 =	rddreg [dreg:$0x1]  }
0x3: {  	s15 =	rddreg [dreg:$0x2];
	s0 =	srdreg.scid;
	s4 =	simm.s32 $0x0  }
0x4: {  	s5 =	stileid.u32;
	s0 =	sand.u32 $0x1, s0;
	[smem:$0x7FF] =	sst s4  }
0x5: {  	s5 =	sshll.u32 s5, $0x8;
	s2 =	ssub.s32 $0x2, s0;
	s0 =	sshll.u32 s0, $0x7  }
0x6: {  	_ =	strace $0x80000047;
	s3 =	sshrl.u32 s2, $0x1;
	s13 =	sor.u32 s0, s5  }
0x7: {  	s14 =	ssub.s32 s2, s3;
	s24 =	sor.u32 $0x1, s13;
	s12 =	sor.u32 $0x11, s13  }
0x8: {  	s11 =	sor.u32 $0x21, s13;
	s0 =	sor.u32 $0x31, s13;
	s9 =	sshrl.u32 s13, $0x1  }
0x9: {  	s10 =	sor.u32 $0x41, s13;
	[dreg:$0x4] =	wrdreg s13;
	s8 =	sadd.s32 s8, s9  }
0xa: {  	s2 =	sor.u32 $0x51, s13;
	s17 =	smax.u32 s14, $0x1;
	[dreg:$0x5] =	wrdreg s8  }
0xb: {  	s3 =	sor.u32 $0x61, s13;
	s16 =	sadd.s32 $0x10, s8;
	[dreg:$0xd] =	wrdreg s17  }
0xc: {  	s5 =	sor.u32 $0x71, s13;
	s31 =	sadd.s32 $0x20, s8;
	[dreg:$0x6] =	wrdreg s16  }
0xd: {  	s13 =	sshll.u32 s13, $0x7;
	s8 =	sadd.s32 $0x30, s8;
	[dreg:$0x7] =	wrdreg s31  }
0xe: {  	[dreg:$0x8] =	wrdreg s8;
	s8 =	sadd.s32 s15, s13  }
0xf: {  	s13 =	sadd.s32 $0x80000, s8;
	[dreg:$0x9] =	wrdreg s8  }
0x10: {  	s15 =	sadd.s32 $0x100000, s8;
	[dreg:$0xa] =	wrdreg s13  }
0x11: {  	s16 =	sadd.s32 $0x180000, s8;
	[dreg:$0xb] =	wrdreg s15  }
0x12: {  	s18 =	sadd.s32 $0x1000, s8;
	[dreg:$0xc] =	wrdreg s16  }
0x13: {  	s19 =	sadd.s32 $0x81000, s8;
	[dreg:$0xe] =	wrdreg s18  }
0x14: {  	s20 =	sadd.s32 $0x101000, s8;
	[dreg:$0xf] =	wrdreg s19  }
0x15: {  	s21 =	sadd.s32 $0x181000, s8;
	[dreg:$0x10] =	wrdreg s20  }
0x16: {  	s22 =	sadd.s32 $0x2000, s8;
	[dreg:$0x11] =	wrdreg s21  }
0x17: {  	v0 =	vlaneseq.u32;
	s28 =	simm.s32 $0x0;
	s23 =	sadd.s32 $0x82000, s8;
	[dreg:$0x12] =	wrdreg s22  }
0x18: {  	vm0 =	vmmov $0xffff;
	s6 =	sadd.s32 $0x100, s1;
	v8 =	vshrl.u32 v0, $0x3;
	v1 =	vadd.s32 s24, v0;
	s25 =	sadd.s32 $0x102000, s8;
	[dreg:$0x13] =	wrdreg s23  }
0x19: {  	s7 =	sadd.s32 $0x200, s1;
	v8 =	vmul.u32 $0x8, v8;
	v2 =	vadd.s32 s12, v0;
	v4 =	vshll.u32 v1, $0x3;
	s26 =	sadd.s32 $0x182000, s8;
	[dreg:$0x14] =	wrdreg s25  }
.Ltmp0:
0x1a: {  	v3 =	vadd.s32 s11, v0;
	v6 =	vand.u32 $0x7, v1;
	v7 =	vand.u32 $0x7FFFFFC0, v4;
	s29 =	sadd.s32 $0x3000, s8;
	[dreg:$0x15] =	wrdreg s26;
	(pc) =	sbr.rel .LBB2_1-.Ltmp0, $4  }
0x1b: {  	s9 =	sadd.s32 $0x300, s1;
	s30 =	sadd.s32 $0x83000, s8;
	v9 =	vor.u32 v6, v7;
	v6 =	vand.u32 $0x7, v0;
	v7 =	vor.u32 $0x8, v0;
	[dreg:$0x16] =	wrdreg s29  }
0x1c: {  	v10 =	vadd.s32 s3, v0;
	s3 =	simm.s32 $0x5;
	s31 =	sadd.s32 $0x103000, s8;
	[dreg:$0x17] =	wrdreg s30;
	v12 =	vperm.xlane v9, v6;
	v13 =	vperm.xlane v9, v7  }
0x1d: {  	v5 =	vadd.s32 s10, v0;
	v11 =	vadd.s32 s5, v0;
	s5 =	simm.s32 $0x7;
	v4 =	vadd.s32 s0, v0;
	s8 =	sadd.s32 $0x183000, s8;
	[dreg:$0x18] =	wrdreg s31  }
0x1e: {  	[dreg:$0x19] =	wrdreg s8;
	v9 =	vadd.s32 s2, v0;
	s25 =	simm.s32 $0x4;
	s26 =	simm.s32 $0x6;
	v12 =	vadd.s32 v8, v12;
	v13 =	vadd.s32 v8, v13  }
.LBB2_5:
0x1f: {  	s28 =	sadd.s32 $0x1, s28;
	s0 =	rddreg [dreg:$0xd]  }
0x20: {  	p0 =	sne.s32 s28, s0  }
.Ltmp1:
0x21: {  	_ = 	snop;
	(pc) =	sbr.rel @!p0 .LBB2_6-.Ltmp1, $1  }
0x22: {  	_ =	sdelay $0x3  }
.LBB2_1:
0x23: {  	[tilespmem:$0x200] =	vst v1  }
0x24: {  	[tilespmem:$0x210] =	vst v2  }
0x25: {  	[tilespmem:$0x280] =	vst v3  }
0x26: {  	[tilespmem:$0x290] =	vst v4  }
0x27: {  	[tilespmem:$0x300] =	vst v5  }
0x28: {  	[tilespmem:$0x310] =	vst v9  }
0x29: {  	[tilespmem:$0x380] =	vst v10  }
0x2a: {  	[tilespmem:$0x390] =	vst v11;
	s2 =	simm.s32 $0x400  }
0x2b: {  	[tilespmem:s2], [sflag:$0x1] =	stream.indirect_vreg.gather [hbm4b:s1+s4], $0x80, v12, vm0, $0xb8;
	[tilespmem:$0x18480] =	vst v63  }
0x2c: {  	s8 =	simm.s32 $0xC00  }
0x2d: {  	[tilespmem:s8], [sflag:$0x1] =	stream.indirect_vreg.gather [hbm4b:s6+s4], $0x80, v12, vm0, $0xb8;
	[tilespmem:$0x18480] =	vst v63  }
0x2e: {  	s10 =	simm.s32 $0x1400  }
0x2f: {  	[tilespmem:s10], [sflag:$0x1] =	stream.indirect_vreg.gather [hbm4b:s7+s4], $0x80, v12, vm0, $0xb8;
	[tilespmem:$0x18480] =	vst v63  }
0x30: {  	s11 =	simm.s32 $0x1C00  }
0x31: {  	[tilespmem:s11], [sflag:$0x1] =	stream.indirect_vreg.gather [hbm4b:s9+s4], $0x80, v12, vm0, $0xb8;
	[tilespmem:$0x18480] =	vst v63  }
0x32: {  	s12 =	simm.s32 $0x2400  }
0x33: {  	[tilespmem:s12], [sflag:$0x1] =	stream.indirect_vreg.gather [hbm4b:s1+s4], $0x80, v13, vm0, $0xb8;
	[tilespmem:$0x18480] =	vst v63  }
0x34: {  	s13 =	simm.s32 $0x2C00  }
0x35: {  	[tilespmem:s13], [sflag:$0x1] =	stream.indirect_vreg.gather [hbm4b:s6+s4], $0x80, v13, vm0, $0xb8;
	[tilespmem:$0x18480] =	vst v63  }
0x36: {  	s14 =	simm.s32 $0x3400  }
0x37: {  	[tilespmem:s14], [sflag:$0x1] =	stream.indirect_vreg.gather [hbm4b:s7+s4], $0x80, v13, vm0, $0xb8;
	[tilespmem:$0x18480] =	vst v63  }
0x38: {  	s15 =	simm.s32 $0x3C00  }
0x39: {  	[tilespmem:s15], [sflag:$0x1] =	stream.indirect_vreg.gather [hbm4b:s9+s4], $0x80, v13, vm0, $0xb8;
	[tilespmem:$0x18480] =	vst v63  }
0x3a: {  	v14 =	vld [tilespmem:$0x210];
	_ =	sdelay $0x4  }
0x3b: {  	v15 =	vshll.u32 v14, $0x3  }
0x3c: {  	v14 =	vand.u32 $0x7, v14;
	v15 =	vand.u32 $0xFFFFFFC0, v15  }
0x3d: {  	v14 =	vor.u32 v14, v15  }
0x3e: {  	v15 =	vperm.xlane v14, v6;
	_ =	sdelay $0x1  }
0x3f: {  	v15 =	vadd.s32 v8, v15;
	_ =	sdelay $0x3  }
0x40: {  	s16 =	simm.s32 $0x4400  }
0x41: {  	[tilespmem:s16], [sflag:$0x1] =	stream.indirect_vreg.gather [hbm4b:s1+s4], $0x80, v15, vm0, $0xb8;
	[tilespmem:$0x18480] =	vst v63  }
0x42: {  	s17 =	simm.s32 $0x4C00;
	v14 =	vperm.xlane v14, v7  }
0x43: {  	[tilespmem:s17], [sflag:$0x1] =	stream.indirect_vreg.gather [hbm4b:s6+s4], $0x80, v15, vm0, $0xb8;
	[tilespmem:$0x18480] =	vst v63  }
0x44: {  	s18 =	simm.s32 $0x5400;
	v14 =	vadd.s32 v8, v14  }
0x45: {  	[tilespmem:s18], [sflag:$0x1] =	stream.indirect_vreg.gather [hbm4b:s7+s4], $0x80, v15, vm0, $0xb8;
	[tilespmem:$0x18480] =	vst v63  }
0x46: {  	s19 =	simm.s32 $0x5C00  }
0x47: {  	[tilespmem:s19], [sflag:$0x1] =	stream.indirect_vreg.gather [hbm4b:s9+s4], $0x80, v15, vm0, $0xb8;
	[tilespmem:$0x18480] =	vst v63  }
0x48: {  	s20 =	simm.s32 $0x6400  }
0x49: {  	[tilespmem:s20], [sflag:$0x1] =	stream.indirect_vreg.gather [hbm4b:s1+s4], $0x80, v14, vm0, $0xb8;
	[tilespmem:$0x18480] =	vst v63  }
0x4a: {  	s21 =	simm.s32 $0x6C00  }
0x4b: {  	[tilespmem:s21], [sflag:$0x1] =	stream.indirect_vreg.gather [hbm4b:s6+s4], $0x80, v14, vm0, $0xb8;
	[tilespmem:$0x18480] =	vst v63  }
0x4c: {  	s22 =	simm.s32 $0x7400  }
0x4d: {  	[tilespmem:s22], [sflag:$0x1] =	stream.indirect_vreg.gather [hbm4b:s7+s4], $0x80, v14, vm0, $0xb8;
	[tilespmem:$0x18480] =	vst v63  }
0x4e: {  	s23 =	simm.s32 $0x7C00  }
0x4f: {  	[tilespmem:s23], [sflag:$0x1] =	stream.indirect_vreg.gather [hbm4b:s9+s4], $0x80, v14, vm0, $0xb8;
	[tilespmem:$0x18480] =	vst v63  }
0x50: {  	v14 =	vld [tilespmem:$0x280];
	_ =	sdelay $0x4  }
0x51: {  	v15 =	vshll.u32 v14, $0x3  }
0x52: {  	v14 =	vand.u32 $0x7, v14;
	v15 =	vand.u32 $0xFFFFFFC0, v15  }
0x53: {  	v14 =	vor.u32 v14, v15  }
0x54: {  	v15 =	vperm.xlane v14, v6;
	_ =	sdelay $0x1  }
0x55: {  	v15 =	vadd.s32 v8, v15;
	_ =	sdelay $0x3  }
0x56: {  	s24 =	simm.s32 $0x8400  }
0x57: {  	[tilespmem:s24], [sflag:$0x2] =	stream.indirect_vreg.gather [hbm4b:s1+s4], $0x80, v15, vm0, $0xb8;
	[tilespmem:$0x18480] =	vst v63  }
0x58: {  	s0 =	simm.s32 $0x8C00;
	v14 =	vperm.xlane v14, v7  }
0x59: {  	[tilespmem:s0], [sflag:$0x2] =	stream.indirect_vreg.gather [hbm4b:s6+s4], $0x80, v15, vm0, $0xb8;
	[tilespmem:$0x18480] =	vst v63  }
0x5a: {  	s31 =	simm.s32 $0x9400;
	v14 =	vadd.s32 v8, v14  }
0x5b: {  	[tilespmem:s31], [sflag:$0x2] =	stream.indirect_vreg.gather [hbm4b:s7+s4], $0x80, v15, vm0, $0xb8;
	[tilespmem:$0x18480] =	vst v63  }
0x5c: {  	s30 =	simm.s32 $0x9C00  }
0x5d: {  	[tilespmem:s30], [sflag:$0x2] =	stream.indirect_vreg.gather [hbm4b:s9+s4], $0x80, v15, vm0, $0xb8;
	[tilespmem:$0x18480] =	vst v63  }
0x5e: {  	s31 =	simm.s32 $0xA400  }
0x5f: {  	[tilespmem:s31], [sflag:$0x2] =	stream.indirect_vreg.gather [hbm4b:s1+s4], $0x80, v14, vm0, $0xb8;
	[tilespmem:$0x18480] =	vst v63  }
0x60: {  	s30 =	simm.s32 $0xAC00  }
0x61: {  	[tilespmem:s30], [sflag:$0x2] =	stream.indirect_vreg.gather [hbm4b:s6+s4], $0x80, v14, vm0, $0xb8;
	[tilespmem:$0x18480] =	vst v63  }
0x62: {  	s31 =	simm.s32 $0xB400  }
0x63: {  	[tilespmem:s31], [sflag:$0x2] =	stream.indirect_vreg.gather [hbm4b:s7+s4], $0x80, v14, vm0, $0xb8;
	[tilespmem:$0x18480] =	vst v63  }
0x64: {  	s30 =	simm.s32 $0xBC00  }
0x65: {  	[tilespmem:s30], [sflag:$0x2] =	stream.indirect_vreg.gather [hbm4b:s9+s4], $0x80, v14, vm0, $0xb8;
	[tilespmem:$0x18480] =	vst v63  }
0x66: {  	v14 =	vld [tilespmem:$0x290];
	_ =	sdelay $0x4  }
0x67: {  	v15 =	vshll.u32 v14, $0x3  }
0x68: {  	v14 =	vand.u32 $0x7, v14;
	v15 =	vand.u32 $0xFFFFFFC0, v15  }
0x69: {  	v14 =	vor.u32 v14, v15  }
0x6a: {  	v15 =	vperm.xlane v14, v6;
	_ =	sdelay $0x1  }
0x6b: {  	v15 =	vadd.s32 v8, v15;
	_ =	sdelay $0x3  }
0x6c: {  	s31 =	simm.s32 $0xC400  }
0x6d: {  	[tilespmem:s31], [sflag:$0x2] =	stream.indirect_vreg.gather [hbm4b:s1+s4], $0x80, v15, vm0, $0xb8;
	[tilespmem:$0x18480] =	vst v63  }
0x6e: {  	s30 =	simm.s32 $0xCC00;
	v14 =	vperm.xlane v14, v7  }
0x6f: {  	[tilespmem:s30], [sflag:$0x2] =	stream.indirect_vreg.gather [hbm4b:s6+s4], $0x80, v15, vm0, $0xb8;
	[tilespmem:$0x18480] =	vst v63  }
0x70: {  	v14 =	vadd.s32 v8, v14;
	s31 =	simm.s32 $0xD400  }
0x71: {  	[tilespmem:s31], [sflag:$0x2] =	stream.indirect_vreg.gather [hbm4b:s7+s4], $0x80, v15, vm0, $0xb8;
	[tilespmem:$0x18480] =	vst v63  }
0x72: {  	s30 =	simm.s32 $0xDC00  }
0x73: {  	[tilespmem:s30], [sflag:$0x2] =	stream.indirect_vreg.gather [hbm4b:s9+s4], $0x80, v15, vm0, $0xb8;
	[tilespmem:$0x18480] =	vst v63  }
0x74: {  	s31 =	simm.s32 $0xE400  }
0x75: {  	[tilespmem:s31], [sflag:$0x2] =	stream.indirect_vreg.gather [hbm4b:s1+s4], $0x80, v14, vm0, $0xb8;
	[tilespmem:$0x18480] =	vst v63  }
0x76: {  	s30 =	simm.s32 $0xEC00  }
0x77: {  	[tilespmem:s30], [sflag:$0x2] =	stream.indirect_vreg.gather [hbm4b:s6+s4], $0x80, v14, vm0, $0xb8;
	[tilespmem:$0x18480] =	vst v63  }
0x78: {  	s31 =	simm.s32 $0xF400  }
0x79: {  	[tilespmem:s31], [sflag:$0x2] =	stream.indirect_vreg.gather [hbm4b:s7+s4], $0x80, v14, vm0, $0xb8;
	[tilespmem:$0x18480] =	vst v63  }
0x7a: {  	s30 =	simm.s32 $0xFC00  }
0x7b: {  	[tilespmem:s30], [sflag:$0x2] =	stream.indirect_vreg.gather [hbm4b:s9+s4], $0x80, v14, vm0, $0xb8;
	[tilespmem:$0x18480] =	vst v63  }
0x7c: {  	v14 =	vld [tilespmem:$0x300];
	_ =	sdelay $0x4  }
0x7d: {  	v15 =	vshll.u32 v14, $0x3  }
0x7e: {  	v14 =	vand.u32 $0x7, v14;
	v15 =	vand.u32 $0xFFFFFFC0, v15  }
0x7f: {  	v14 =	vor.u32 v14, v15  }
0x80: {  	v15 =	vperm.xlane v14, v6;
	_ =	sdelay $0x1  }
0x81: {  	v15 =	vadd.s32 v8, v15;
	_ =	sdelay $0x3  }
0x82: {  	s29 =	simm.s32 $0x10400  }
0x83: {  	[tilespmem:s29], [sflag:$0x3] =	stream.indirect_vreg.gather [hbm4b:s1+s4], $0x80, v15, vm0, $0xb8;
	[tilespmem:$0x18480] =	vst v63  }
0x84: {  	s31 =	simm.s32 $0x10C00;
	v14 =	vperm.xlane v14, v7  }
0x85: {  	[tilespmem:s31], [sflag:$0x3] =	stream.indirect_vreg.gather [hbm4b:s6+s4], $0x80, v15, vm0, $0xb8;
	[tilespmem:$0x18480] =	vst v63  }
0x86: {  	s30 =	simm.s32 $0x11400;
	v14 =	vadd.s32 v8, v14  }
0x87: {  	[tilespmem:s30], [sflag:$0x3] =	stream.indirect_vreg.gather [hbm4b:s7+s4], $0x80, v15, vm0, $0xb8;
	[tilespmem:$0x18480] =	vst v63  }
0x88: {  	s31 =	simm.s32 $0x11C00  }
0x89: {  	[tilespmem:s31], [sflag:$0x3] =	stream.indirect_vreg.gather [hbm4b:s9+s4], $0x80, v15, vm0, $0xb8;
	[tilespmem:$0x18480] =	vst v63  }
0x8a: {  	s30 =	simm.s32 $0x12400  }
0x8b: {  	[tilespmem:s30], [sflag:$0x3] =	stream.indirect_vreg.gather [hbm4b:s1+s4], $0x80, v14, vm0, $0xb8;
	[tilespmem:$0x18480] =	vst v63  }
0x8c: {  	s31 =	simm.s32 $0x12C00  }
0x8d: {  	[tilespmem:s31], [sflag:$0x3] =	stream.indirect_vreg.gather [hbm4b:s6+s4], $0x80, v14, vm0, $0xb8;
	[tilespmem:$0x18480] =	vst v63  }
0x8e: {  	s30 =	simm.s32 $0x13400  }
0x8f: {  	[tilespmem:s30], [sflag:$0x3] =	stream.indirect_vreg.gather [hbm4b:s7+s4], $0x80, v14, vm0, $0xb8;
	[tilespmem:$0x18480] =	vst v63  }
0x90: {  	s31 =	simm.s32 $0x13C00  }
0x91: {  	[tilespmem:s31], [sflag:$0x3] =	stream.indirect_vreg.gather [hbm4b:s9+s4], $0x80, v14, vm0, $0xb8;
	[tilespmem:$0x18480] =	vst v63  }
0x92: {  	v14 =	vld [tilespmem:$0x310];
	_ =	sdelay $0x4  }
0x93: {  	v15 =	vshll.u32 v14, $0x3  }
0x94: {  	v14 =	vand.u32 $0x7, v14;
	v15 =	vand.u32 $0xFFFFFFC0, v15  }
0x95: {  	v14 =	vor.u32 v14, v15  }
0x96: {  	v15 =	vperm.xlane v14, v6;
	_ =	sdelay $0x1  }
0x97: {  	v15 =	vadd.s32 v8, v15;
	_ =	sdelay $0x3  }
0x98: {  	s30 =	simm.s32 $0x14400  }
0x99: {  	[tilespmem:s30], [sflag:$0x3] =	stream.indirect_vreg.gather [hbm4b:s1+s4], $0x80, v15, vm0, $0xb8;
	[tilespmem:$0x18480] =	vst v63  }
0x9a: {  	s31 =	simm.s32 $0x14C00;
	v14 =	vperm.xlane v14, v7  }
0x9b: {  	[tilespmem:s31], [sflag:$0x3] =	stream.indirect_vreg.gather [hbm4b:s6+s4], $0x80, v15, vm0, $0xb8;
	[tilespmem:$0x18480] =	vst v63  }
0x9c: {  	v14 =	vadd.s32 v8, v14;
	s30 =	simm.s32 $0x15400  }
0x9d: {  	[tilespmem:s30], [sflag:$0x3] =	stream.indirect_vreg.gather [hbm4b:s7+s4], $0x80, v15, vm0, $0xb8;
	[tilespmem:$0x18480] =	vst v63  }
0x9e: {  	s31 =	simm.s32 $0x15C00  }
0x9f: {  	[tilespmem:s31], [sflag:$0x3] =	stream.indirect_vreg.gather [hbm4b:s9+s4], $0x80, v15, vm0, $0xb8;
	[tilespmem:$0x18480] =	vst v63  }
0xa0: {  	s30 =	simm.s32 $0x16400  }
0xa1: {  	[tilespmem:s30], [sflag:$0x3] =	stream.indirect_vreg.gather [hbm4b:s1+s4], $0x80, v14, vm0, $0xb8;
	[tilespmem:$0x18480] =	vst v63  }
0xa2: {  	s31 =	simm.s32 $0x16C00  }
0xa3: {  	[tilespmem:s31], [sflag:$0x3] =	stream.indirect_vreg.gather [hbm4b:s6+s4], $0x80, v14, vm0, $0xb8;
	[tilespmem:$0x18480] =	vst v63  }
0xa4: {  	s30 =	simm.s32 $0x17400  }
0xa5: {  	[tilespmem:s30], [sflag:$0x3] =	stream.indirect_vreg.gather [hbm4b:s7+s4], $0x80, v14, vm0, $0xb8;
	[tilespmem:$0x18480] =	vst v63  }
0xa6: {  	s31 =	simm.s32 $0x17C00  }
0xa7: {  	[tilespmem:s31], [sflag:$0x3] =	stream.indirect_vreg.gather [hbm4b:s9+s4], $0x80, v14, vm0, $0xb8;
	[tilespmem:$0x18480] =	vst v63  }
0xa8: {  	s30 =	rddreg [dreg:$0x5]  }
0xa9: {  	[tilespmem:s4], [sflag:$0x7] =	stream.linear.gather [hbm4b:s30+s4], $0x80, $0x38;
	[tilespmem:$0x18480] =	vst v63  }
0xaa: {  	s31 =	rddreg [dreg:$0x6];
	s30 =	simm.s32 $0x80  }
0xab: {  	[tilespmem:s30], [sflag:$0x7] =	stream.linear.gather [hbm4b:s31+s4], $0x80, $0x38;
	[tilespmem:$0x18480] =	vst v63  }
0xac: {  	s0 =	rddreg [dreg:$0x7];
	s31 =	simm.s32 $0x100  }
0xad: {  	[tilespmem:s31], [sflag:$0x7] =	stream.linear.gather [hbm4b:s0+s4], $0x80, $0x38;
	[tilespmem:$0x18480] =	vst v63  }
0xae: {  	s30 =	simm.s32 $0x1;
	s0 =	rddreg [dreg:$0x8];
	s31 =	simm.s32 $0x180  }
0xaf: {  	[tilespmem:s31], [sflag:$0x7] =	stream.linear.gather [hbm4b:s0+s4], $0x80, $0x38;
	[tilespmem:$0x18480] =	vst v63  }
0xb0: {  	_ =	swait.ge [sflag:s30], $0x8000  }
0xb1: {  	[sflag:s30] =	ssyncset.done $0x0  }
0xb2: {  	s31 =	rddreg [dreg:$0x9];
	[sflag:s30] =	ssyncadd.s32 $0xFFFF8000  }
0xb3: {  	[hbm4b:s31+s4] =	stream.linear.scatter [tilespmem:s2], [sflag:$0x4], $0x8000, $0x38;
	[tilespmem:$0x18480] =	vst v63  }
0xb4: {  	s31 =	rddreg [dreg:$0xa]  }
0xb5: {  	[hbm4b:s31+s4] =	stream.linear.scatter [tilespmem:s2], [sflag:$0x4], $0x8000, $0x38;
	[tilespmem:$0x18480] =	vst v63  }
0xb6: {  	s31 =	rddreg [dreg:$0xb]  }
0xb7: {  	[hbm4b:s31+s4] =	stream.linear.scatter [tilespmem:s2], [sflag:$0x4], $0x8000, $0x38;
	[tilespmem:$0x18480] =	vst v63  }
0xb8: {  	s31 =	rddreg [dreg:$0xc]  }
0xb9: {  	[hbm4b:s31+s4] =	stream.linear.scatter [tilespmem:s2], [sflag:$0x4], $0x8000, $0x38;
	[tilespmem:$0x18480] =	vst v63  }
0xba: {  	s31 =	simm.s32 $0x2  }
0xbb: {  	_ =	swait.ge [sflag:s31], $0x8000  }
0xbc: {  	[sflag:s31] =	ssyncset.done $0x0  }
0xbd: {  	[sflag:s31] =	ssyncadd.s32 $0xFFFF8000;
	s31 =	rddreg [dreg:$0xe]  }
0xbe: {  	[hbm4b:s31+s4] =	stream.linear.scatter [tilespmem:s24], [sflag:$0x5], $0x8000, $0x38;
	[tilespmem:$0x18480] =	vst v63  }
0xbf: {  	s31 =	rddreg [dreg:$0xf]  }
0xc0: {  	[hbm4b:s31+s4] =	stream.linear.scatter [tilespmem:s24], [sflag:$0x5], $0x8000, $0x38;
	[tilespmem:$0x18480] =	vst v63  }
0xc1: {  	s31 =	rddreg [dreg:$0x10]  }
0xc2: {  	[hbm4b:s31+s4] =	stream.linear.scatter [tilespmem:s24], [sflag:$0x5], $0x8000, $0x38;
	[tilespmem:$0x18480] =	vst v63  }
0xc3: {  	s31 =	rddreg [dreg:$0x11]  }
0xc4: {  	[hbm4b:s31+s4] =	stream.linear.scatter [tilespmem:s24], [sflag:$0x5], $0x8000, $0x38;
	[tilespmem:$0x18480] =	vst v63  }
0xc5: {  	s31 =	simm.s32 $0x3  }
0xc6: {  	_ =	swait.ge [sflag:s31], $0x8000  }
0xc7: {  	[sflag:s31] =	ssyncset.done $0x0  }
0xc8: {  	[sflag:s31] =	ssyncadd.s32 $0xFFFF8000  }
0xc9: {  	_ =	swait.ge [sflag:s25], $0x8000  }
0xca: {  	[sflag:s25] =	ssyncset.done $0x0  }
0xcb: {  	[sflag:s25] =	ssyncadd.s32 $0xFFFF8000  }
0xcc: {  	_ =	swait.ge [sflag:s25], $0x8000  }
0xcd: {  	[sflag:s25] =	ssyncset.done $0x0  }
0xce: {  	[sflag:s25] =	ssyncadd.s32 $0xFFFF8000  }
0xcf: {  	_ =	swait.ge [sflag:s25], $0x8000  }
0xd0: {  	[sflag:s25] =	ssyncset.done $0x0  }
0xd1: {  	[sflag:s25] =	ssyncadd.s32 $0xFFFF8000  }
0xd2: {  	_ =	swait.ge [sflag:s25], $0x8000  }
0xd3: {  	[sflag:s25] =	ssyncset.done $0x0  }
0xd4: {  	[sflag:s25] =	ssyncadd.s32 $0xFFFF8000  }
0xd5: {  	v14 =	vld [tilespmem:$0x380];
	_ =	sdelay $0x4  }
0xd6: {  	v15 =	vshll.u32 v14, $0x3  }
0xd7: {  	v14 =	vand.u32 $0x7, v14;
	v15 =	vand.u32 $0xFFFFFFC0, v15  }
0xd8: {  	v14 =	vor.u32 v14, v15  }
0xd9: {  	v15 =	vperm.xlane v14, v6;
	_ =	sdelay $0x1  }
0xda: {  	v15 =	vadd.s32 v8, v15;
	_ =	sdelay $0x4  }
0xdb: {  	[tilespmem:s2], [sflag:$0x1] =	stream.indirect_vreg.gather [hbm4b:s1+s4], $0x80, v15, vm0, $0xb8;
	[tilespmem:$0x18480] =	vst v63  }
0xdc: {  	v14 =	vperm.xlane v14, v7  }
0xdd: {  	[tilespmem:s8], [sflag:$0x1] =	stream.indirect_vreg.gather [hbm4b:s6+s4], $0x80, v15, vm0, $0xb8;
	[tilespmem:$0x18480] =	vst v63  }
0xde: {  	v14 =	vadd.s32 v8, v14  }
0xdf: {  	[tilespmem:s10], [sflag:$0x1] =	stream.indirect_vreg.gather [hbm4b:s7+s4], $0x80, v15, vm0, $0xb8;
	[tilespmem:$0x18480] =	vst v63  }
0xe0: {  	_ = 	snop  }
0xe1: {  	[tilespmem:s11], [sflag:$0x1] =	stream.indirect_vreg.gather [hbm4b:s9+s4], $0x80, v15, vm0, $0xb8;
	[tilespmem:$0x18480] =	vst v63  }
0xe2: {  	_ = 	snop  }
0xe3: {  	[tilespmem:s12], [sflag:$0x1] =	stream.indirect_vreg.gather [hbm4b:s1+s4], $0x80, v14, vm0, $0xb8;
	[tilespmem:$0x18480] =	vst v63  }
0xe4: {  	_ = 	snop  }
0xe5: {  	[tilespmem:s13], [sflag:$0x1] =	stream.indirect_vreg.gather [hbm4b:s6+s4], $0x80, v14, vm0, $0xb8;
	[tilespmem:$0x18480] =	vst v63  }
0xe6: {  	_ = 	snop  }
0xe7: {  	[tilespmem:s14], [sflag:$0x1] =	stream.indirect_vreg.gather [hbm4b:s7+s4], $0x80, v14, vm0, $0xb8;
	[tilespmem:$0x18480] =	vst v63  }
0xe8: {  	_ = 	snop  }
0xe9: {  	[tilespmem:s15], [sflag:$0x1] =	stream.indirect_vreg.gather [hbm4b:s9+s4], $0x80, v14, vm0, $0xb8;
	[tilespmem:$0x18480] =	vst v63  }
0xea: {  	v14 =	vld [tilespmem:$0x390];
	_ =	sdelay $0x4  }
0xeb: {  	v15 =	vshll.u32 v14, $0x3  }
0xec: {  	v14 =	vand.u32 $0x7, v14;
	v15 =	vand.u32 $0xFFFFFFC0, v15  }
0xed: {  	v14 =	vor.u32 v14, v15  }
0xee: {  	v15 =	vperm.xlane v14, v6;
	_ =	sdelay $0x1  }
0xef: {  	v15 =	vadd.s32 v8, v15;
	_ =	sdelay $0x4  }
0xf0: {  	[tilespmem:s16], [sflag:$0x1] =	stream.indirect_vreg.gather [hbm4b:s1+s4], $0x80, v15, vm0, $0xb8;
	[tilespmem:$0x18480] =	vst v63  }
0xf1: {  	v14 =	vperm.xlane v14, v7  }
0xf2: {  	[tilespmem:s17], [sflag:$0x1] =	stream.indirect_vreg.gather [hbm4b:s6+s4], $0x80, v15, vm0, $0xb8;
	[tilespmem:$0x18480] =	vst v63  }
0xf3: {  	v14 =	vadd.s32 v8, v14  }
0xf4: {  	[tilespmem:s18], [sflag:$0x1] =	stream.indirect_vreg.gather [hbm4b:s7+s4], $0x80, v15, vm0, $0xb8;
	[tilespmem:$0x18480] =	vst v63  }
0xf5: {  	_ = 	snop  }
0xf6: {  	[tilespmem:s19], [sflag:$0x1] =	stream.indirect_vreg.gather [hbm4b:s9+s4], $0x80, v15, vm0, $0xb8;
	[tilespmem:$0x18480] =	vst v63  }
0xf7: {  	_ = 	snop  }
0xf8: {  	[tilespmem:s20], [sflag:$0x1] =	stream.indirect_vreg.gather [hbm4b:s1+s4], $0x80, v14, vm0, $0xb8;
	[tilespmem:$0x18480] =	vst v63  }
0xf9: {  	_ = 	snop  }
0xfa: {  	[tilespmem:s21], [sflag:$0x1] =	stream.indirect_vreg.gather [hbm4b:s6+s4], $0x80, v14, vm0, $0xb8;
	[tilespmem:$0x18480] =	vst v63  }
0xfb: {  	_ = 	snop  }
0xfc: {  	[tilespmem:s22], [sflag:$0x1] =	stream.indirect_vreg.gather [hbm4b:s7+s4], $0x80, v14, vm0, $0xb8;
	[tilespmem:$0x18480] =	vst v63  }
0xfd: {  	_ = 	snop  }
0xfe: {  	[tilespmem:s23], [sflag:$0x1] =	stream.indirect_vreg.gather [hbm4b:s9+s4], $0x80, v14, vm0, $0xb8;
	[tilespmem:$0x18480] =	vst v63  }
0xff: {  	s19 =	rddreg [dreg:$0x12]  }
0x100: {  	[hbm4b:s19+s4] =	stream.linear.scatter [tilespmem:s29], [sflag:$0x6], $0x8000, $0x38;
	[tilespmem:$0x18480] =	vst v63  }
0x101: {  	s20 =	rddreg [dreg:$0x13]  }
0x102: {  	[hbm4b:s20+s4] =	stream.linear.scatter [tilespmem:s29], [sflag:$0x6], $0x8000, $0x38;
	[tilespmem:$0x18480] =	vst v63  }
0x103: {  	s21 =	rddreg [dreg:$0x14]  }
0x104: {  	[hbm4b:s21+s4] =	stream.linear.scatter [tilespmem:s29], [sflag:$0x6], $0x8000, $0x38;
	[tilespmem:$0x18480] =	vst v63  }
0x105: {  	s22 =	rddreg [dreg:$0x15]  }
0x106: {  	[hbm4b:s22+s4] =	stream.linear.scatter [tilespmem:s29], [sflag:$0x6], $0x8000, $0x38;
	[tilespmem:$0x18480] =	vst v63  }
0x107: {  	_ =	swait.ge [sflag:s30], $0x8000  }
0x108: {  	[sflag:s30] =	ssyncset.done $0x0  }
0x109: {  	s23 =	rddreg [dreg:$0x16];
	[sflag:s30] =	ssyncadd.s32 $0xFFFF8000  }
0x10a: {  	[hbm4b:s23+s4] =	stream.linear.scatter [tilespmem:s2], [sflag:$0x4], $0x8000, $0x38;
	[tilespmem:$0x18480] =	vst v63  }
0x10b: {  	s24 =	rddreg [dreg:$0x17]  }
0x10c: {  	[hbm4b:s24+s4] =	stream.linear.scatter [tilespmem:s2], [sflag:$0x4], $0x8000, $0x38;
	[tilespmem:$0x18480] =	vst v63  }
0x10d: {  	s30 =	rddreg [dreg:$0x18]  }
0x10e: {  	[hbm4b:s30+s4] =	stream.linear.scatter [tilespmem:s2], [sflag:$0x4], $0x8000, $0x38;
	[tilespmem:$0x18480] =	vst v63  }
0x10f: {  	s31 =	rddreg [dreg:$0x19]  }
0x110: {  	[hbm4b:s31+s4] =	stream.linear.scatter [tilespmem:s2], [sflag:$0x4], $0x8000, $0x38;
	[tilespmem:$0x18480] =	vst v63  }
0x111: {  	_ =	swait.ge [sflag:s3], $0x8000  }
0x112: {  	[sflag:s3] =	ssyncset.done $0x0  }
0x113: {  	[sflag:s3] =	ssyncadd.s32 $0xFFFF8000  }
0x114: {  	_ =	swait.ge [sflag:s3], $0x8000  }
0x115: {  	[sflag:s3] =	ssyncset.done $0x0  }
0x116: {  	[sflag:s3] =	ssyncadd.s32 $0xFFFF8000  }
0x117: {  	_ =	swait.ge [sflag:s3], $0x8000  }
0x118: {  	[sflag:s3] =	ssyncset.done $0x0  }
0x119: {  	[sflag:s3] =	ssyncadd.s32 $0xFFFF8000  }
0x11a: {  	_ =	swait.ge [sflag:s3], $0x8000  }
0x11b: {  	[sflag:s3] =	ssyncset.done $0x0  }
0x11c: {  	[sflag:s3] =	ssyncadd.s32 $0xFFFF8000  }
0x11d: {  	_ =	swait.ge [sflag:s26], $0x8000  }
0x11e: {  	[sflag:s26] =	ssyncset.done $0x0  }
0x11f: {  	[sflag:s26] =	ssyncadd.s32 $0xFFFF8000  }
0x120: {  	_ =	swait.ge [sflag:s26], $0x8000  }
0x121: {  	[sflag:s26] =	ssyncset.done $0x0  }
0x122: {  	[sflag:s26] =	ssyncadd.s32 $0xFFFF8000  }
0x123: {  	_ =	swait.ge [sflag:s26], $0x8000  }
0x124: {  	[sflag:s26] =	ssyncset.done $0x0  }
0x125: {  	[sflag:s26] =	ssyncadd.s32 $0xFFFF8000  }
0x126: {  	_ =	swait.ge [sflag:s26], $0x8000  }
0x127: {  	[sflag:s26] =	ssyncset.done $0x0  }
0x128: {  	[sflag:s26] =	ssyncadd.s32 $0xFFFF8000  }
0x129: {  	_ =	swait.ge [sflag:s25], $0x8000  }
0x12a: {  	[sflag:s25] =	ssyncset.done $0x0  }
0x12b: {  	[sflag:s25] =	ssyncadd.s32 $0xFFFF8000  }
0x12c: {  	_ =	swait.ge [sflag:s25], $0x8000  }
0x12d: {  	[sflag:s25] =	ssyncset.done $0x0  }
0x12e: {  	[sflag:s25] =	ssyncadd.s32 $0xFFFF8000  }
0x12f: {  	_ =	swait.ge [sflag:s25], $0x8000  }
0x130: {  	[sflag:s25] =	ssyncset.done $0x0  }
0x131: {  	[sflag:s25] =	ssyncadd.s32 $0xFFFF8000  }
0x132: {  	_ =	swait.ge [sflag:s25], $0x8000  }
0x133: {  	[sflag:s25] =	ssyncset.done $0x0  }
0x134: {  	[sflag:s25] =	ssyncadd.s32 $0xFFFF8000  }
0x135: {  	_ =	swait.ge [sflag:s5], $0x80  }
0x136: {  	[sflag:s5] =	ssyncset.done $0x0  }
0x137: {  	[sflag:s5] =	ssyncadd.s32 $0xFFFFFF80  }
0x138: {  	_ =	swait.ge [sflag:s5], $0x80  }
0x139: {  	[sflag:s5] =	ssyncset.done $0x0  }
0x13a: {  	[sflag:s5] =	ssyncadd.s32 $0xFFFFFF80  }
0x13b: {  	_ =	swait.ge [sflag:s5], $0x80  }
0x13c: {  	[sflag:s5] =	ssyncset.done $0x0  }
0x13d: {  	[sflag:s5] =	ssyncadd.s32 $0xFFFFFF80  }
0x13e: {  	_ =	swait.ge [sflag:s5], $0x80  }
0x13f: {  	[sflag:s5] =	ssyncset.done $0x0  }
0x140: {  	s10 =	simm.s32 $0x0;
	s29 =	simm.s32 $0x0;
	[sflag:s5] =	ssyncadd.s32 $0xFFFFFF80  }
.LBB2_2:
0x141: {  	s11 =	sand.u32 $0x3, s29  }
0x142: {  	s12 =	sand.u32 $0x60, s10;
	s30 =	sshll.u32 s11, $0x7  }
0x143: {  	s30 =	sor.u32 s12, s30  }
0x144: {  	v14 =	vld [tilespmem:s30+$0x0]  }
0x145: {  	v15 =	vld [tilespmem:s30+$0x10];
	_ =	sdelay $0x4  }
0x146: {  	vm1 =	vlt.s32 v14, v15  }
0x147: {  	v15 =	vsel vm1, v14, v15  }
0x148: {  	(v2sf) =	vpush v15, $0x0  }
0x149: {  	(v2sf) =	vpush v15, $0x1  }
0x14a: {  	(v2sf) =	vpush v15, $0x2  }
0x14b: {  	(v2sf) =	vpush v15, $0x3  }
0x14c: {  	(v2sf) =	vpush v15, $0x4  }
0x14d: {  	(v2sf) =	vpush v15, $0x5  }
0x14e: {  	(v2sf) =	vpush v15, $0x6  }
0x14f: {  	(v2sf) =	vpush v15, $0x7  }
0x150: {  	(v2sf) =	vpush v15, $0x8  }
0x151: {  	(v2sf) =	vpush v15, $0x9  }
0x152: {  	(v2sf) =	vpush v15, $0xA  }
0x153: {  	(v2sf) =	vpush v15, $0xB  }
0x154: {  	(v2sf) =	vpush v15, $0xC  }
0x155: {  	(v2sf) =	vpush v15, $0xD  }
0x156: {  	(v2sf) =	vpush v15, $0xE  }
0x157: {  	s14 =	spop (v2sf);
	(v2sf) =	vpush v15, $0xF  }
0x158: {  	s15 =	spop (v2sf)  }
0x159: {  	s16 =	spop (v2sf)  }
0x15a: {  	s17 =	spop (v2sf)  }
0x15b: {  	s18 =	spop (v2sf)  }
0x15c: {  	s19 =	spop (v2sf)  }
0x15d: {  	s20 =	spop (v2sf)  }
0x15e: {  	s21 =	spop (v2sf)  }
0x15f: {  	s8 =	spop (v2sf)  }
0x160: {  	s13 =	spop (v2sf)  }
0x161: {  	s24 =	spop (v2sf)  }
0x162: {  	s2 =	spop (v2sf)  }
0x163: {  	s22 =	spop (v2sf)  }
0x164: {  	s23 =	spop (v2sf)  }
0x165: {  	s0 =	spop (v2sf)  }
0x166: {  	s31 =	spop (v2sf)  }
0x167: {  	p0 =	seq.s32 s31, $0x0  }
0x168: {  	p1 =	seq.s32 @!p0 s0, $0x0  }
0x169: {  	p0 =	por p0, p1  }
0x16a: {  	p1 =	seq.s32 @!p0 s23, $0x0  }
0x16b: {  	p0 =	por p0, p1  }
0x16c: {  	p1 =	seq.s32 @!p0 s22, $0x0  }
0x16d: {  	p0 =	por p0, p1  }
0x16e: {  	p1 =	seq.s32 @!p0 s2, $0x0  }
0x16f: {  	p0 =	por p0, p1  }
0x170: {  	p1 =	seq.s32 @!p0 s24, $0x0  }
0x171: {  	p0 =	por p0, p1  }
0x172: {  	p1 =	seq.s32 @!p0 s13, $0x0  }
0x173: {  	p0 =	por p0, p1  }
0x174: {  	p1 =	seq.s32 @!p0 s8, $0x0  }
0x175: {  	p0 =	por p0, p1  }
0x176: {  	p1 =	seq.s32 @!p0 s21, $0x0  }
0x177: {  	p0 =	por p0, p1  }
0x178: {  	p1 =	seq.s32 @!p0 s20, $0x0  }
0x179: {  	p0 =	por p0, p1  }
0x17a: {  	p1 =	seq.s32 @!p0 s19, $0x0  }
0x17b: {  	p0 =	por p0, p1  }
0x17c: {  	p1 =	seq.s32 @!p0 s18, $0x0  }
0x17d: {  	p0 =	por p0, p1  }
0x17e: {  	p1 =	seq.s32 @!p0 s17, $0x0  }
0x17f: {  	p0 =	por p0, p1  }
0x180: {  	p1 =	seq.s32 @!p0 s16, $0x0  }
0x181: {  	p0 =	por p0, p1  }
0x182: {  	p1 =	seq.s32 @!p0 s14, $0x0  }
0x183: {  	p0 =	por p0, p1  }
0x184: {  	p1 =	sne.s32 @!p0 s15, $0x0  }
0x185: {  	p0 =	por p0, !p1  }
.Ltmp2:
0x186: {  	_ = 	snop;
	(pc) =	sbr.rel @p0 .LBB2_3-.Ltmp2, $1  }
0x187: {  	_ =	sdelay $0x3  }
.LBB2_4:
0x188: {  	s29 =	sadd.s32 $0x1, s29  }
0x189: {  	p0 =	sne.s32 s29, $0x10  }
.Ltmp3:
0x18a: {  	_ = 	snop;
	(pc) =	sbr.rel @p0 .LBB2_2-.Ltmp3, $4  }
.Ltmp4:
0x18b: {  	_ = 	snop;
	(pc) =	sbr.rel @!p0 .LBB2_5-.Ltmp4, $4  }
0x18c: {  	_ = 	snop  }
0x18d: {  	_ = 	snop  }
0x18e: {  	s10 =	sadd.s32 $0x8, s10  }
0x18f: {  	_ = 	snop  }
.LBB2_3:
0x190: {  	s0 =	rddreg [dreg:$0x4]  }
0x191: {  	s0 =	sor.u32 s12, s0  }
0x192: {  	s2 =	sor.u32 $0x1, s0  }
0x193: {  	vm1 =	veq.s32 v14, $0x0;
	v15 =	vadd.s32 s2, v0  }
0x194: {  	v14 =	vsel vm1, $0x0, v15  }
0x195: {  	v15 =	vshll.u32 v14, $0x3  }
0x196: {  	[tilespmem:$0x18400] =	vst v14;
	v14 =	vand.u32 $0x7, v14;
	v15 =	vand.u32 $0xFFFFFFC0, v15  }
0x197: {  	v16 =	vld [tilespmem:s30+$0x10];
	v14 =	vor.u32 v14, v15  }
0x198: {  	v15 =	vperm.xlane v14, v6;
	_ =	sdelay $0x1  }
0x199: {  	v15 =	vadd.s32 v8, v15  }
0x19a: {  	s23 =	sor.u32 $0x11, s0  }
0x19b: {  	v17 =	vadd.s32 s23, v0;
	vm1 =	veq.s32 v16, $0x0  }
0x19c: {  	v16 =	vsel vm1, $0x0, v17  }
0x19d: {  	s8 =	simm.s32 $0x400;
	[tilespmem:$0x18410] =	vst v16  }
0x19e: {  	[tilespmem:s8], [sflag:$0x1] =	stream.indirect_vreg.gather [hbm4b:s1+s4], $0x80, v15, vm0, $0xb8;
	[tilespmem:$0x18480] =	vst v63  }
0x19f: {  	s24 =	simm.s32 $0xC00;
	v14 =	vperm.xlane v14, v7  }
0x1a0: {  	[tilespmem:s24], [sflag:$0x1] =	stream.indirect_vreg.gather [hbm4b:s6+s4], $0x80, v15, vm0, $0xb8;
	[tilespmem:$0x18480] =	vst v63  }
0x1a1: {  	s30 =	simm.s32 $0x1400;
	v14 =	vadd.s32 v8, v14  }
0x1a2: {  	[tilespmem:s30], [sflag:$0x1] =	stream.indirect_vreg.gather [hbm4b:s7+s4], $0x80, v15, vm0, $0xb8;
	[tilespmem:$0x18480] =	vst v63  }
0x1a3: {  	s31 =	simm.s32 $0x1C00  }
0x1a4: {  	[tilespmem:s31], [sflag:$0x1] =	stream.indirect_vreg.gather [hbm4b:s9+s4], $0x80, v15, vm0, $0xb8;
	[tilespmem:$0x18480] =	vst v63  }
0x1a5: {  	s12 =	simm.s32 $0x2400  }
0x1a6: {  	[tilespmem:s12], [sflag:$0x1] =	stream.indirect_vreg.gather [hbm4b:s1+s4], $0x80, v14, vm0, $0xb8;
	[tilespmem:$0x18480] =	vst v63  }
0x1a7: {  	s13 =	simm.s32 $0x2C00  }
0x1a8: {  	[tilespmem:s13], [sflag:$0x1] =	stream.indirect_vreg.gather [hbm4b:s6+s4], $0x80, v14, vm0, $0xb8;
	[tilespmem:$0x18480] =	vst v63  }
0x1a9: {  	s14 =	simm.s32 $0x3400  }
0x1aa: {  	[tilespmem:s14], [sflag:$0x1] =	stream.indirect_vreg.gather [hbm4b:s7+s4], $0x80, v14, vm0, $0xb8;
	[tilespmem:$0x18480] =	vst v63  }
0x1ab: {  	s15 =	simm.s32 $0x3C00  }
0x1ac: {  	[tilespmem:s15], [sflag:$0x1] =	stream.indirect_vreg.gather [hbm4b:s9+s4], $0x80, v14, vm0, $0xb8;
	[tilespmem:$0x18480] =	vst v63  }
0x1ad: {  	v14 =	vld [tilespmem:$0x18410];
	_ =	sdelay $0x4  }
0x1ae: {  	v15 =	vshll.u32 v14, $0x3  }
0x1af: {  	v14 =	vand.u32 $0x7, v14;
	v15 =	vand.u32 $0xFFFFFFC0, v15  }
0x1b0: {  	v14 =	vor.u32 v14, v15  }
0x1b1: {  	v15 =	vperm.xlane v14, v6;
	_ =	sdelay $0x1  }
0x1b2: {  	v15 =	vadd.s32 v8, v15;
	_ =	sdelay $0x3  }
0x1b3: {  	s16 =	simm.s32 $0x4400  }
0x1b4: {  	[tilespmem:s16], [sflag:$0x1] =	stream.indirect_vreg.gather [hbm4b:s1+s4], $0x80, v15, vm0, $0xb8;
	[tilespmem:$0x18480] =	vst v63  }
0x1b5: {  	s17 =	simm.s32 $0x4C00;
	v14 =	vperm.xlane v14, v7  }
0x1b6: {  	[tilespmem:s17], [sflag:$0x1] =	stream.indirect_vreg.gather [hbm4b:s6+s4], $0x80, v15, vm0, $0xb8;
	[tilespmem:$0x18480] =	vst v63  }
0x1b7: {  	s18 =	simm.s32 $0x5400;
	v14 =	vadd.s32 v8, v14  }
0x1b8: {  	[tilespmem:s18], [sflag:$0x1] =	stream.indirect_vreg.gather [hbm4b:s7+s4], $0x80, v15, vm0, $0xb8;
	[tilespmem:$0x18480] =	vst v63  }
0x1b9: {  	s19 =	simm.s32 $0x5C00  }
0x1ba: {  	[tilespmem:s19], [sflag:$0x1] =	stream.indirect_vreg.gather [hbm4b:s9+s4], $0x80, v15, vm0, $0xb8;
	[tilespmem:$0x18480] =	vst v63  }
0x1bb: {  	s20 =	simm.s32 $0x6400  }
0x1bc: {  	[tilespmem:s20], [sflag:$0x1] =	stream.indirect_vreg.gather [hbm4b:s1+s4], $0x80, v14, vm0, $0xb8;
	[tilespmem:$0x18480] =	vst v63  }
0x1bd: {  	s21 =	simm.s32 $0x6C00  }
0x1be: {  	[tilespmem:s21], [sflag:$0x1] =	stream.indirect_vreg.gather [hbm4b:s6+s4], $0x80, v14, vm0, $0xb8;
	[tilespmem:$0x18480] =	vst v63  }
0x1bf: {  	s22 =	simm.s32 $0x7400  }
0x1c0: {  	[tilespmem:s22], [sflag:$0x1] =	stream.indirect_vreg.gather [hbm4b:s7+s4], $0x80, v14, vm0, $0xb8;
	[tilespmem:$0x18480] =	vst v63  }
0x1c1: {  	s23 =	simm.s32 $0x7C00;
	s24 =	simm.s32 $0x1  }
0x1c2: {  	[tilespmem:s23], [sflag:$0x1] =	stream.indirect_vreg.gather [hbm4b:s9+s4], $0x80, v14, vm0, $0xb8;
	[tilespmem:$0x18480] =	vst v63  }
0x1c3: {  	_ =	swait.ge [sflag:s24], $0x8000  }
0x1c4: {  	[sflag:s24] =	ssyncset.done $0x0  }
0x1c5: {  	s0 =	sshll.u32 s0, $0x7;
	s30 =	sshll.u32 s11, $0x13;
	[sflag:s24] =	ssyncadd.s32 $0xFFFF8000  }
0x1c6: {  	s0 =	sor.u32 s0, s30;
	s31 =	rddreg [dreg:$0x2]  }
.Ltmp5:
0x1c7: {  	s0 =	sadd.s32 s31, s0;
	(pc) =	sbr.rel .LBB2_4-.Ltmp5, $4  }
0x1c8: {  	[hbm4b:s0+s4] =	stream.linear.scatter [tilespmem:s8], [sflag:$0x4], $0x8000, $0x38;
	[tilespmem:$0x18480] =	vst v63  }
0x1c9: {  	_ =	swait.ge [sflag:s25], $0x8000  }
0x1ca: {  	[sflag:s25] =	ssyncset.done $0x0  }
0x1cb: {  	[sflag:s25] =	ssyncadd.s32 $0xFFFF8000  }
.LBB2_6:
0x1cc: {  	_ =	sfence.sel $0x180000  }
0x1cd: {  	[bflag:$0x0] =	sbarrier.arrive $0xFFFF  }
0x1ce: {  	_ =	strace $0x90000047  }
0x1cf: {  	s0 =	stileid.u32;
	[bflag:$0x2] =	sbarrier.arrive $0xFFFF  }
0x1d0: {  	p0 =	sne.s32 s0, $0x0;
	s0 =	rddreg [dreg:$0x3]  }
0x1d1: {  	s0 =	sadd.s32 @!p0 $0x100000, s0  }
0x1d2: {  	[sflag:s0] =	ssyncadd.tile.s32 @!p0 $0x1;
	_ =	shalt  }
.Lfunc_end2:
_tile_overlayer_lowered:
.L_overlay_start_2:
0x1d3: {  	(tag) =	ssettag $0x2  }
0x1d4: {  	s0 =	rddreg [dreg:$0x0];
	s2 =	stileid.u32  }
0x1d5: {  	s1 =	rddreg [dreg:$0x1];
	p0 =	sne.s32 s2, $0x0  }
0x1d6: {  	s3 =	rddreg [dreg:$0x2];
	[bflag:$0x3] =	sbarrier.arrive $0xFFFF;
	s2 =	simm.s32 @!p0 $0x1C08  }
0x1d7: {  	[timem:s3], [sflag:s2] =	dma.local @!p0 [hbm:s0], s1  }
0x1d8: {  	s0 =	simm.s32 @!p0 $0x8  }
0x1d9: {  	_ =	swait.ge @!p0 [sflag:s0], s1  }
0x1da: {  	s1 =	ssub.s32 @!p0 $0x0, s1;
	[sflag:s0] =	ssyncset.done @!p0 $0x0  }
0x1db: {  	[sflag:s0] =	ssyncadd.s32 @!p0 s1  }
0x1dc: {  	[bflag:$0x3] =	sbarrier.arrive $0xFFFF  }
0x1dd: {  	_ =	shalt  }

</sc_bundles>
